<compile_context>
chip_gen: v7x
topology: tpu7x:2x2x1
jax: 0.10.2.dev20260603
libtpu: 0.0.44.dev20260713+nightly
codegen_flags: <defaults>
</compile_context>

<pallas_src>
import functools

import jax
import jax.numpy as jnp
from jax import lax
from jax.experimental import pallas as pl
from jax.experimental.pallas import tpu as pltpu
from jax.experimental.pallas import tpu_sc as plsc


def _sc_gather(emb, gates_w, idx3d, n_workers):
    cpw = idx3d.shape[1]
    cw = idx3d.shape[2]
    d = emb.shape[1]
    n = n_workers * cpw * cw
    rpw = cpw * cw

    mesh = plsc.VectorSubcoreMesh(core_axis_name="c", subcore_axis_name="s")
    nc = 2

    @functools.partial(
        pl.kernel,
        out_type=(
            jax.ShapeDtypeStruct((n, d), jnp.float32),
            jax.ShapeDtypeStruct((1, n), jnp.float32),
        ),
        mesh=mesh,
        scratch_types=[
            pltpu.VMEM((cpw, cw), jnp.int32),
            pltpu.VMEM((rpw, d), jnp.float32),
            pltpu.VMEM((rpw,), jnp.float32),
        ] + [pltpu.SemaphoreType.DMA] * (cpw + 2),
    )
    def sc_kernel(emb_hbm, gates_hbm, idx_hbm, x_out, g_out,
                  idx_v, rows_v, g_v, *sems):
        gsem, wsem = sems[cpw], sems[cpw + 1]
        wid = lax.axis_index("s") * nc + lax.axis_index("c")
        base_r = wid * rpw
        pltpu.sync_copy(idx_hbm.at[wid], idx_v)
        emb_copies = []
        gate_copies = []
        for j in range(cpw):
            emb_copies.append(pltpu.async_copy(
                emb_hbm.at[idx_v.at[j]],
                rows_v.at[pl.ds(j * cw, cw)], sems[j]))
            gate_copies.append(pltpu.async_copy(
                gates_hbm.at[idx_v.at[j]],
                g_v.at[pl.ds(j * cw, cw)], gsem))
        wcopies = []
        for j in range(cpw):
            emb_copies[j].wait()
            wcopies.append(pltpu.async_copy(
                rows_v.at[pl.ds(j * cw, cw)],
                x_out.at[pl.ds(base_r + j * cw, cw)], wsem))
        for c in gate_copies:
            c.wait()
        wcopies.append(pltpu.async_copy(
            g_v, g_out.at[0, pl.ds(base_r, rpw)], wsem))
        for c in wcopies:
            c.wait()

    return sc_kernel(emb, gates_w, idx3d)


def _tc_body(block_b, seq, d, k_blocks):
    seg = d // float(k_blocks)
    lc = 1000000000.0
    df = float(d)
    block_t = block_b * seq

    def body(x_ref, g_ref, w_ref, b_ref, o_ref, *maybe_carry_out):
        xb = x_ref[...]
        gv = jnp.transpose(g_ref[...], (1, 0)) * df
        iota = lax.broadcasted_iota(jnp.int32, (block_t, d), 1).astype(jnp.float32)
        frac = (lc * gv - jnp.floor(lc * gv)) / lc
        mask = (iota < gv).astype(jnp.float32) + frac
        count = jnp.minimum(jnp.ceil(gv), df)
        bidx = jnp.minimum(jnp.floor(count / seg), k_blocks - 1)
        xm = (xb * mask).astype(jnp.bfloat16)
        acc = jnp.zeros((block_t, d), jnp.float32)
        for k in range(k_blocks):
            yk = lax.dot_general(
                xm, w_ref[k], (((1,), (1,)), ((), ())),
                preferred_element_type=jnp.float32)
            yk = yk + b_ref[k][None, :]
            sel = (bidx == k).astype(jnp.float32)
            acc = acc + sel * yk
        out_ref = maybe_carry_out[-1] if maybe_carry_out else o_ref
        out_ref[...] = acc.reshape(block_b, seq, d)

    return body


def _tc_compute(x, g, W, b, bsz, seq, block_b, row0, rows, carry=None):
    n, d = x.shape
    k_blocks = W.shape[0]
    block_t = block_b * seq
    b0 = row0 // block_b

    in_specs = [
        pl.BlockSpec((block_t, d), lambda i: (i, 0)),
        pl.BlockSpec((1, block_t), lambda i: (0, i)),
        pl.BlockSpec((k_blocks, d, d), lambda i: (0, 0, 0)),
        pl.BlockSpec((k_blocks, d), lambda i: (0, 0)),
    ]
    out_spec = pl.BlockSpec((block_b, seq, d), lambda i: (i + b0, 0, 0))
    args = (x, g, W.astype(jnp.bfloat16), b)
    body = _tc_body(block_b, seq, d, k_blocks)
    if carry is None:
        return pl.pallas_call(
            body,
            grid=(rows // block_b,),
            in_specs=in_specs,
            out_specs=out_spec,
            out_shape=jax.ShapeDtypeStruct((bsz, seq, d), jnp.float32),
        )(*args)
    return pl.pallas_call(
        body,
        grid=(rows // block_b,),
        in_specs=in_specs + [pl.BlockSpec(memory_space=pl.ANY)],
        out_specs=out_spec,
        out_shape=jax.ShapeDtypeStruct((bsz, seq, d), jnp.float32),
        input_output_aliases={4: 0},
    )(*args, carry)


def kernel(input, emb, gates_w, W, b):
    bsz, seq = input.shape
    d = emb.shape[1]
    n = bsz * seq
    n_workers = 32
    gates1d = gates_w.reshape(-1)
    idx3d = input.reshape(n_workers, n // (n_workers * 128), 128)
    x, g = _sc_gather(emb, gates1d, idx3d, n_workers=n_workers)
    return _tc_compute(x, g, W, b, bsz, seq, 128, 0, bsz)

# --- scband reference (transcript-rebuilt; emitter-appended) ---
"""Pipeline reference for scband-differentiable-embedding-56693568307430 (READ-ONLY COPY).

The authoritative reference and input builder live on the scoring server;
editing this copy changes nothing except your own understanding.
"""

import jax, jax.numpy as jnp
import numpy as np

V = 100000
D = 128
B = 1024
L = 20
K = 5  # number of gates_blocks


def setup_inputs(seed: int = 0) -> dict:
    key = jax.random.key(seed)
    k1, k2, k3, k4, k5 = jax.random.split(key, 5)
    inp = jax.random.randint(k1, (B, L), 0, V, dtype=jnp.int32)
    emb = jax.random.normal(k2, (V, D), dtype=jnp.float32) * 0.02
    # gates initialized uniform in (0.001, 1.0) as in init_weights
    gates_w = jax.random.uniform(k3, (V, 1), dtype=jnp.float32, minval=0.001, maxval=1.0)
    # 5 linear blocks, stored torch-style as [out, in]
    W = jax.random.normal(k4, (K, D, D), dtype=jnp.float32) * (1.0 / np.sqrt(D))
    b = jax.random.normal(k5, (K, D), dtype=jnp.float32) * 0.01
    return {"input": inp, "emb": emb, "gates_w": gates_w, "W": W, "b": b}


def reference(input, emb, gates_w, W, b):
    # data = self.embedding(input)
    data = jnp.take(emb, input, axis=0)            # [B, L, D]
    # gates = self.gates(input) * output_dim
    gates = jnp.take(gates_w, input, axis=0) * D   # [B, L, 1]
    # index_array [[[0..D-1]]] expanded/broadcast to [B, L, D]
    idx_array = jnp.arange(D, dtype=jnp.float32)[None, None, :]
    Lc = 1000000000.0
    # get_mask with grad_shape_func=None
    mask = (idx_array < gates).astype(jnp.float32) + (Lc * gates - jnp.floor(Lc * gates)) / Lc
    # per-token block selection: idx = int(sum(mask) // (D // float(K))); clip at K-1
    m_sum = jnp.sum(mask, axis=-1)                 # [B, L]
    block = D // float(K)                          # 128 // 5.0 = 25.0
    bidx = jnp.floor(m_sum // block).astype(jnp.int32)
    bidx = jnp.minimum(bidx, K - 1)
    masked = data * mask                           # [B, L, D]
    # apply all K linear blocks, then select per token (matches per-token branch)
    out_all = jnp.einsum('bld,kod->blko', masked, W) + b[None, None, :, :]  # [B, L, K, D]
    out = jnp.take_along_axis(out_all, bidx[:, :, None, None], axis=2)
    return jnp.squeeze(out, axis=2)                # [B, L, D]

if __name__ == "__main__":
    import jax
    _d = setup_inputs()
    print(jax.jit(kernel)(*tuple(_d.values())))

</pallas_src>

<mosaic_0001>
#map = affine_map<(d0, d1) -> (0, 0)>
#map1 = affine_map<(d0, d1) -> (0)>
#map2 = affine_map<(d0, d1) -> (0, 0, 0)>
module attributes {stable_mosaic.version = 14 : i64} {
  func.func @sc_kernel(%arg0: i32, %arg1: i32, %arg2: memref<100000x128xf32, #tpu.memory_space<hbm>>, %arg3: memref<100000xf32, #tpu.memory_space<hbm>>, %arg4: memref<32x5x128xi32, #tpu.memory_space<hbm>>, %arg5: memref<20480x128xf32, #tpu.memory_space<hbm>>, %arg6: memref<1x20480xf32, #tpu.memory_space<hbm>>, %arg7: memref<5x128xi32, #tpu.memory_space<vmem>>, %arg8: memref<640x128xf32, #tpu.memory_space<vmem>>, %arg9: memref<640xf32, #tpu.memory_space<vmem>>, %arg10: memref<!tpu.dma_semaphore, #tpu.memory_space<semaphore_mem>>, %arg11: memref<!tpu.dma_semaphore, #tpu.memory_space<semaphore_mem>>, %arg12: memref<!tpu.dma_semaphore, #tpu.memory_space<semaphore_mem>>, %arg13: memref<!tpu.dma_semaphore, #tpu.memory_space<semaphore_mem>>, %arg14: memref<!tpu.dma_semaphore, #tpu.memory_space<semaphore_mem>>, %arg15: memref<!tpu.dma_semaphore, #tpu.memory_space<semaphore_mem>>, %arg16: memref<!tpu.dma_semaphore, #tpu.memory_space<semaphore_mem>>) attributes {dimension_semantics = [#tpu.dimension_semantics<core_parallel>, #tpu.dimension_semantics<subcore_parallel>], iteration_bounds = array<i64: 2, 16>, scalar_prefetch = 0 : i64, scratch_operands = 10 : i64, tpu.core_type = #tpu.core_type<sc_vector_subcore>, window_params = [{transform_indices = #map}, {transform_indices = #map1}, {transform_indices = #map2}, {transform_indices = #map}, {transform_indices = #map}]} {
    %mul3A = arith.constant 2 : i32
    %mul3A_0 = arith.muli %arg1, %mul3A : i32
    %add3A = arith.addi %mul3A_0, %arg0 : i32
    %mul3A_1 = arith.constant 640 : i32
    %mul3A_2 = arith.muli %add3A, %mul3A_1 : i32
    "tpu.region"() ({
      %run_scoped3A = tpu.sem_alloc : memref<!tpu.dma_semaphore, #tpu.memory_space<semaphore_mem>>
      %dma_start3A_301 = arith.constant 0 : i32
      %dma_start3A_302 = arith.constant 0 : i32
      %dma_start3A_303 = tpu.memref_slice %arg4[%add3A, %dma_start3A_301, %dma_start3A_302] : memref<32x5x128xi32, #tpu.memory_space<hbm>> -> memref<1x5x128xi32, #tpu.memory_space<hbm>>
      %dma_start3A_304 = tpu.memref_squeeze %dma_start3A_303 : memref<1x5x128xi32, #tpu.memory_space<hbm>> -> memref<5x128xi32, #tpu.memory_space<hbm>>
      %dma_start3A_305 = arith.constant 0 : i32
      %dma_start3A_306 = arith.constant 0 : i32
      %dma_start3A_307 = tpu.memref_slice %arg4[%add3A, %dma_start3A_305, %dma_start3A_306] : memref<32x5x128xi32, #tpu.memory_space<hbm>> -> memref<1x5x128xi32, #tpu.memory_space<hbm>>
      %dma_start3A_308 = tpu.memref_squeeze %dma_start3A_307 : memref<1x5x128xi32, #tpu.memory_space<hbm>> -> memref<5x128xi32, #tpu.memory_space<hbm>>
      tpu.enqueue_dma source(%dma_start3A_308 : memref<5x128xi32, #tpu.memory_space<hbm>>) target(%arg7 : memref<5x128xi32, #tpu.memory_space<vmem>>) target_semaphore(%run_scoped3A : memref<!tpu.dma_semaphore, #tpu.memory_space<semaphore_mem>>)
      %dma_wait3A_309 = arith.constant 0 : i32
      %dma_wait3A_310 = arith.constant 0 : i32
      %dma_wait3A_311 = tpu.memref_slice %arg4[%add3A, %dma_wait3A_309, %dma_wait3A_310] : memref<32x5x128xi32, #tpu.memory_space<hbm>> -> memref<1x5x128xi32, #tpu.memory_space<hbm>>
      %dma_wait3A_312 = tpu.memref_squeeze %dma_wait3A_311 : memref<1x5x128xi32, #tpu.memory_space<hbm>> -> memref<5x128xi32, #tpu.memory_space<hbm>>
      %dma_wait3A_313 = arith.constant 0 : i32
      %dma_wait3A_314 = arith.constant 0 : i32
      %dma_wait3A_315 = tpu.memref_slice %arg4[%add3A, %dma_wait3A_313, %dma_wait3A_314] : memref<32x5x128xi32, #tpu.memory_space<hbm>> -> memref<1x5x128xi32, #tpu.memory_space<hbm>>
      %dma_wait3A_316 = tpu.memref_squeeze %dma_wait3A_315 : memref<1x5x128xi32, #tpu.memory_space<hbm>> -> memref<5x128xi32, #tpu.memory_space<hbm>>
      tpu.wait_dma2 semaphore(%run_scoped3A : memref<!tpu.dma_semaphore, #tpu.memory_space<semaphore_mem>>) src(%dma_wait3A_316 : memref<5x128xi32, #tpu.memory_space<hbm>>) dst(%arg7 : memref<5x128xi32, #tpu.memory_space<vmem>>)
      tpu.yield
    }) : () -> ()
    %dma_start3A = arith.constant 0 : i32
    %dma_start3A_3 = arith.constant 0 : i32
    %dma_start3A_4 = arith.constant 0 : i32
    %dma_start3A_5 = tpu.memref_slice %arg8[%dma_start3A_3, %dma_start3A_4] : memref<640x128xf32, #tpu.memory_space<vmem>> -> memref<128x128xf32, #tpu.memory_space<vmem>>
    %dma_start3A_6 = arith.constant 0 : i32
    %dma_start3A_7 = tpu.memref_slice %arg7[%dma_start3A, %dma_start3A_6] : memref<5x128xi32, #tpu.memory_space<vmem>> -> memref<1x128xi32, #tpu.memory_space<vmem>>
    %dma_start3A_8 = tpu.memref_squeeze %dma_start3A_7 : memref<1x128xi32, #tpu.memory_space<vmem>> -> memref<128xi32, #tpu.memory_space<vmem>>
    %dma_start3A_9 = arith.constant 0 : i32
    %dma_start3A_10 = arith.constant 0 : i32
    %dma_start3A_11 = tpu.memref_slice %arg2[%dma_start3A_9, %dma_start3A_10] : memref<100000x128xf32, #tpu.memory_space<hbm>> -> memref<100000x128xf32, #tpu.memory_space<hbm>>
    tpu.enqueue_indirect_dma source(%dma_start3A_11 : memref<100000x128xf32, #tpu.memory_space<hbm>>) target(%dma_start3A_5 : memref<128x128xf32, #tpu.memory_space<vmem>>) offsets(%dma_start3A_8 : memref<128xi32, #tpu.memory_space<vmem>>) semaphore(%arg10 : memref<!tpu.dma_semaphore, #tpu.memory_space<semaphore_mem>>)
    %dma_start3A_12 = arith.constant 0 : i32
    %dma_start3A_13 = arith.constant 0 : i32
    %dma_start3A_14 = tpu.memref_slice %arg9[%dma_start3A_13] : memref<640xf32, #tpu.memory_space<vmem>> -> memref<128xf32, #tpu.memory_space<vmem>>
    %dma_start3A_15 = arith.constant 0 : i32
    %dma_start3A_16 = tpu.memref_slice %arg7[%dma_start3A_12, %dma_start3A_15] : memref<5x128xi32, #tpu.memory_space<vmem>> -> memref<1x128xi32, #tpu.memory_space<vmem>>
    %dma_start3A_17 = tpu.memref_squeeze %dma_start3A_16 : memref<1x128xi32, #tpu.memory_space<vmem>> -> memref<128xi32, #tpu.memory_space<vmem>>
    %dma_start3A_18 = arith.constant 0 : i32
    %dma_start3A_19 = tpu.memref_slice %arg3[%dma_start3A_18] : memref<100000xf32, #tpu.memory_space<hbm>> -> memref<100000xf32, #tpu.memory_space<hbm>>
    tpu.enqueue_indirect_dma source(%dma_start3A_19 : memref<100000xf32, #tpu.memory_space<hbm>>) target(%dma_start3A_14 : memref<128xf32, #tpu.memory_space<vmem>>) offsets(%dma_start3A_17 : memref<128xi32, #tpu.memory_space<vmem>>) semaphore(%arg15 : memref<!tpu.dma_semaphore, #tpu.memory_space<semaphore_mem>>)
    %dma_start3A_20 = arith.constant 1 : i32
    %dma_start3A_21 = arith.constant 128 : i32
    %dma_start3A_22 = arith.constant 0 : i32
    %dma_start3A_23 = tpu.memref_slice %arg8[%dma_start3A_21, %dma_start3A_22] : memref<640x128xf32, #tpu.memory_space<vmem>> -> memref<128x128xf32, #tpu.memory_space<vmem>>
    %dma_start3A_24 = arith.constant 0 : i32
    %dma_start3A_25 = tpu.memref_slice %arg7[%dma_start3A_20, %dma_start3A_24] : memref<5x128xi32, #tpu.memory_space<vmem>> -> memref<1x128xi32, #tpu.memory_space<vmem>>
    %dma_start3A_26 = tpu.memref_squeeze %dma_start3A_25 : memref<1x128xi32, #tpu.memory_space<vmem>> -> memref<128xi32, #tpu.memory_space<vmem>>
    %dma_start3A_27 = arith.constant 0 : i32
    %dma_start3A_28 = arith.constant 0 : i32
    %dma_start3A_29 = tpu.memref_slice %arg2[%dma_start3A_27, %dma_start3A_28] : memref<100000x128xf32, #tpu.memory_space<hbm>> -> memref<100000x128xf32, #tpu.memory_space<hbm>>
    tpu.enqueue_indirect_dma source(%dma_start3A_29 : memref<100000x128xf32, #tpu.memory_space<hbm>>) target(%dma_start3A_23 : memref<128x128xf32, #tpu.memory_space<vmem>>) offsets(%dma_start3A_26 : memref<128xi32, #tpu.memory_space<vmem>>) semaphore(%arg11 : memref<!tpu.dma_semaphore, #tpu.memory_space<semaphore_mem>>)
    %dma_start3A_30 = arith.constant 1 : i32
    %dma_start3A_31 = arith.constant 128 : i32
    %dma_start3A_32 = tpu.memref_slice %arg9[%dma_start3A_31] : memref<640xf32, #tpu.memory_space<vmem>> -> memref<128xf32, #tpu.memory_space<vmem>>
    %dma_start3A_33 = arith.constant 0 : i32
    %dma_start3A_34 = tpu.memref_slice %arg7[%dma_start3A_30, %dma_start3A_33] : memref<5x128xi32, #tpu.memory_space<vmem>> -> memref<1x128xi32, #tpu.memory_space<vmem>>
    %dma_start3A_35 = tpu.memref_squeeze %dma_start3A_34 : memref<1x128xi32, #tpu.memory_space<vmem>> -> memref<128xi32, #tpu.memory_space<vmem>>
    %dma_start3A_36 = arith.constant 0 : i32
    %dma_start3A_37 = tpu.memref_slice %arg3[%dma_start3A_36] : memref<100000xf32, #tpu.memory_space<hbm>> -> memref<100000xf32, #tpu.memory_space<hbm>>
    tpu.enqueue_indirect_dma source(%dma_start3A_37 : memref<100000xf32, #tpu.memory_space<hbm>>) target(%dma_start3A_32 : memref<128xf32, #tpu.memory_space<vmem>>) offsets(%dma_start3A_35 : memref<128xi32, #tpu.memory_space<vmem>>) semaphore(%arg15 : memref<!tpu.dma_semaphore, #tpu.memory_space<semaphore_mem>>)
    %dma_start3A_38 = arith.constant 2 : i32
    %dma_start3A_39 = arith.constant 256 : i32
    %dma_start3A_40 = arith.constant 0 : i32
    %dma_start3A_41 = tpu.memref_slice %arg8[%dma_start3A_39, %dma_start3A_40] : memref<640x128xf32, #tpu.memory_space<vmem>> -> memref<128x128xf32, #tpu.memory_space<vmem>>
    %dma_start3A_42 = arith.constant 0 : i32
    %dma_start3A_43 = tpu.memref_slice %arg7[%dma_start3A_38, %dma_start3A_42] : memref<5x128xi32, #tpu.memory_space<vmem>> -> memref<1x128xi32, #tpu.memory_space<vmem>>
    %dma_start3A_44 = tpu.memref_squeeze %dma_start3A_43 : memref<1x128xi32, #tpu.memory_space<vmem>> -> memref<128xi32, #tpu.memory_space<vmem>>
    %dma_start3A_45 = arith.constant 0 : i32
    %dma_start3A_46 = arith.constant 0 : i32
    %dma_start3A_47 = tpu.memref_slice %arg2[%dma_start3A_45, %dma_start3A_46] : memref<100000x128xf32, #tpu.memory_space<hbm>> -> memref<100000x128xf32, #tpu.memory_space<hbm>>
    tpu.enqueue_indirect_dma source(%dma_start3A_47 : memref<100000x128xf32, #tpu.memory_space<hbm>>) target(%dma_start3A_41 : memref<128x128xf32, #tpu.memory_space<vmem>>) offsets(%dma_start3A_44 : memref<128xi32, #tpu.memory_space<vmem>>) semaphore(%arg12 : memref<!tpu.dma_semaphore, #tpu.memory_space<semaphore_mem>>)
    %dma_start3A_48 = arith.constant 2 : i32
    %dma_start3A_49 = arith.constant 256 : i32
    %dma_start3A_50 = tpu.memref_slice %arg9[%dma_start3A_49] : memref<640xf32, #tpu.memory_space<vmem>> -> memref<128xf32, #tpu.memory_space<vmem>>
    %dma_start3A_51 = arith.constant 0 : i32
    %dma_start3A_52 = tpu.memref_slice %arg7[%dma_start3A_48, %dma_start3A_51] : memref<5x128xi32, #tpu.memory_space<vmem>> -> memref<1x128xi32, #tpu.memory_space<vmem>>
    %dma_start3A_53 = tpu.memref_squeeze %dma_start3A_52 : memref<1x128xi32, #tpu.memory_space<vmem>> -> memref<128xi32, #tpu.memory_space<vmem>>
    %dma_start3A_54 = arith.constant 0 : i32
    %dma_start3A_55 = tpu.memref_slice %arg3[%dma_start3A_54] : memref<100000xf32, #tpu.memory_space<hbm>> -> memref<100000xf32, #tpu.memory_space<hbm>>
    tpu.enqueue_indirect_dma source(%dma_start3A_55 : memref<100000xf32, #tpu.memory_space<hbm>>) target(%dma_start3A_50 : memref<128xf32, #tpu.memory_space<vmem>>) offsets(%dma_start3A_53 : memref<128xi32, #tpu.memory_space<vmem>>) semaphore(%arg15 : memref<!tpu.dma_semaphore, #tpu.memory_space<semaphore_mem>>)
    %dma_start3A_56 = arith.constant 3 : i32
    %dma_start3A_57 = arith.constant 384 : i32
    %dma_start3A_58 = arith.constant 0 : i32
    %dma_start3A_59 = tpu.memref_slice %arg8[%dma_start3A_57, %dma_start3A_58] : memref<640x128xf32, #tpu.memory_space<vmem>> -> memref<128x128xf32, #tpu.memory_space<vmem>>
    %dma_start3A_60 = arith.constant 0 : i32
    %dma_start3A_61 = tpu.memref_slice %arg7[%dma_start3A_56, %dma_start3A_60] : memref<5x128xi32, #tpu.memory_space<vmem>> -> memref<1x128xi32, #tpu.memory_space<vmem>>
    %dma_start3A_62 = tpu.memref_squeeze %dma_start3A_61 : memref<1x128xi32, #tpu.memory_space<vmem>> -> memref<128xi32, #tpu.memory_space<vmem>>
    %dma_start3A_63 = arith.constant 0 : i32
    %dma_start3A_64 = arith.constant 0 : i32
    %dma_start3A_65 = tpu.memref_slice %arg2[%dma_start3A_63, %dma_start3A_64] : memref<100000x128xf32, #tpu.memory_space<hbm>> -> memref<100000x128xf32, #tpu.memory_space<hbm>>
    tpu.enqueue_indirect_dma source(%dma_start3A_65 : memref<100000x128xf32, #tpu.memory_space<hbm>>) target(%dma_start3A_59 : memref<128x128xf32, #tpu.memory_space<vmem>>) offsets(%dma_start3A_62 : memref<128xi32, #tpu.memory_space<vmem>>) semaphore(%arg13 : memref<!tpu.dma_semaphore, #tpu.memory_space<semaphore_mem>>)
    %dma_start3A_66 = arith.constant 3 : i32
    %dma_start3A_67 = arith.constant 384 : i32
    %dma_start3A_68 = tpu.memref_slice %arg9[%dma_start3A_67] : memref<640xf32, #tpu.memory_space<vmem>> -> memref<128xf32, #tpu.memory_space<vmem>>
    %dma_start3A_69 = arith.constant 0 : i32
    %dma_start3A_70 = tpu.memref_slice %arg7[%dma_start3A_66, %dma_start3A_69] : memref<5x128xi32, #tpu.memory_space<vmem>> -> memref<1x128xi32, #tpu.memory_space<vmem>>
    %dma_start3A_71 = tpu.memref_squeeze %dma_start3A_70 : memref<1x128xi32, #tpu.memory_space<vmem>> -> memref<128xi32, #tpu.memory_space<vmem>>
    %dma_start3A_72 = arith.constant 0 : i32
    %dma_start3A_73 = tpu.memref_slice %arg3[%dma_start3A_72] : memref<100000xf32, #tpu.memory_space<hbm>> -> memref<100000xf32, #tpu.memory_space<hbm>>
    tpu.enqueue_indirect_dma source(%dma_start3A_73 : memref<100000xf32, #tpu.memory_space<hbm>>) target(%dma_start3A_68 : memref<128xf32, #tpu.memory_space<vmem>>) offsets(%dma_start3A_71 : memref<128xi32, #tpu.memory_space<vmem>>) semaphore(%arg15 : memref<!tpu.dma_semaphore, #tpu.memory_space<semaphore_mem>>)
    %dma_start3A_74 = arith.constant 4 : i32
    %dma_start3A_75 = arith.constant 512 : i32
    %dma_start3A_76 = arith.constant 0 : i32
    %dma_start3A_77 = tpu.memref_slice %arg8[%dma_start3A_75, %dma_start3A_76] : memref<640x128xf32, #tpu.memory_space<vmem>> -> memref<128x128xf32, #tpu.memory_space<vmem>>
    %dma_start3A_78 = arith.constant 0 : i32
    %dma_start3A_79 = tpu.memref_slice %arg7[%dma_start3A_74, %dma_start3A_78] : memref<5x128xi32, #tpu.memory_space<vmem>> -> memref<1x128xi32, #tpu.memory_space<vmem>>
    %dma_start3A_80 = tpu.memref_squeeze %dma_start3A_79 : memref<1x128xi32, #tpu.memory_space<vmem>> -> memref<128xi32, #tpu.memory_space<vmem>>
    %dma_start3A_81 = arith.constant 0 : i32
    %dma_start3A_82 = arith.constant 0 : i32
    %dma_start3A_83 = tpu.memref_slice %arg2[%dma_start3A_81, %dma_start3A_82] : memref<100000x128xf32, #tpu.memory_space<hbm>> -> memref<100000x128xf32, #tpu.memory_space<hbm>>
    tpu.enqueue_indirect_dma source(%dma_start3A_83 : memref<100000x128xf32, #tpu.memory_space<hbm>>) target(%dma_start3A_77 : memref<128x128xf32, #tpu.memory_space<vmem>>) offsets(%dma_start3A_80 : memref<128xi32, #tpu.memory_space<vmem>>) semaphore(%arg14 : memref<!tpu.dma_semaphore, #tpu.memory_space<semaphore_mem>>)
    %dma_start3A_84 = arith.constant 4 : i32
    %dma_start3A_85 = arith.constant 512 : i32
    %dma_start3A_86 = tpu.memref_slice %arg9[%dma_start3A_85] : memref<640xf32, #tpu.memory_space<vmem>> -> memref<128xf32, #tpu.memory_space<vmem>>
    %dma_start3A_87 = arith.constant 0 : i32
    %dma_start3A_88 = tpu.memref_slice %arg7[%dma_start3A_84, %dma_start3A_87] : memref<5x128xi32, #tpu.memory_space<vmem>> -> memref<1x128xi32, #tpu.memory_space<vmem>>
    %dma_start3A_89 = tpu.memref_squeeze %dma_start3A_88 : memref<1x128xi32, #tpu.memory_space<vmem>> -> memref<128xi32, #tpu.memory_space<vmem>>
    %dma_start3A_90 = arith.constant 0 : i32
    %dma_start3A_91 = tpu.memref_slice %arg3[%dma_start3A_90] : memref<100000xf32, #tpu.memory_space<hbm>> -> memref<100000xf32, #tpu.memory_space<hbm>>
    tpu.enqueue_indirect_dma source(%dma_start3A_91 : memref<100000xf32, #tpu.memory_space<hbm>>) target(%dma_start3A_86 : memref<128xf32, #tpu.memory_space<vmem>>) offsets(%dma_start3A_89 : memref<128xi32, #tpu.memory_space<vmem>>) semaphore(%arg15 : memref<!tpu.dma_semaphore, #tpu.memory_space<semaphore_mem>>)
    %dma_wait3A = arith.constant 0 : i32
    %dma_wait3A_92 = arith.constant 0 : i32
    %dma_wait3A_93 = arith.constant 0 : i32
    %dma_wait3A_94 = tpu.memref_slice %arg8[%dma_wait3A_92, %dma_wait3A_93] : memref<640x128xf32, #tpu.memory_space<vmem>> -> memref<128x128xf32, #tpu.memory_space<vmem>>
    %dma_wait3A_95 = arith.constant 0 : i32
    %dma_wait3A_96 = tpu.memref_slice %arg7[%dma_wait3A, %dma_wait3A_95] : memref<5x128xi32, #tpu.memory_space<vmem>> -> memref<1x128xi32, #tpu.memory_space<vmem>>
    %dma_wait3A_97 = tpu.memref_squeeze %dma_wait3A_96 : memref<1x128xi32, #tpu.memory_space<vmem>> -> memref<128xi32, #tpu.memory_space<vmem>>
    %dma_wait3A_98 = arith.constant 0 : i32
    %dma_wait3A_99 = arith.constant 0 : i32
    %dma_wait3A_100 = tpu.memref_slice %arg2[%dma_wait3A_98, %dma_wait3A_99] : memref<100000x128xf32, #tpu.memory_space<hbm>> -> memref<100000x128xf32, #tpu.memory_space<hbm>>
    tpu.wait_indirect_dma semaphore(%arg10 : memref<!tpu.dma_semaphore, #tpu.memory_space<semaphore_mem>>) src(%dma_wait3A_100 : memref<100000x128xf32, #tpu.memory_space<hbm>>) dst(%dma_wait3A_94 : memref<128x128xf32, #tpu.memory_space<vmem>>)
    %add3A_101 = arith.constant 0 : i32
    %add3A_102 = arith.addi %mul3A_2, %add3A_101 : i32
    %dma_start3A_103 = arith.constant 0 : i32
    %dma_start3A_104 = arith.constant 0 : i32
    %dma_start3A_105 = tpu.memref_slice %arg8[%dma_start3A_103, %dma_start3A_104] : memref<640x128xf32, #tpu.memory_space<vmem>> -> memref<128x128xf32, #tpu.memory_space<vmem>>
    %dma_start3A_106 = arith.constant 0 : i32
    %dma_start3A_107 = tpu.memref_slice %arg5[%add3A_102, %dma_start3A_106] : memref<20480x128xf32, #tpu.memory_space<hbm>> -> memref<128x128xf32, #tpu.memory_space<hbm>>
    %dma_start3A_108 = arith.constant 0 : i32
    %dma_start3A_109 = tpu.memref_slice %arg5[%add3A_102, %dma_start3A_108] : memref<20480x128xf32, #tpu.memory_space<hbm>> -> memref<128x128xf32, #tpu.memory_space<hbm>>
    %dma_start3A_110 = arith.constant 0 : i32
    %dma_start3A_111 = arith.constant 0 : i32
    %dma_start3A_112 = tpu.memref_slice %arg8[%dma_start3A_110, %dma_start3A_111] : memref<640x128xf32, #tpu.memory_space<vmem>> -> memref<128x128xf32, #tpu.memory_space<vmem>>
    tpu.enqueue_dma source(%dma_start3A_112 : memref<128x128xf32, #tpu.memory_space<vmem>>) target(%dma_start3A_109 : memref<128x128xf32, #tpu.memory_space<hbm>>) target_semaphore(%arg16 : memref<!tpu.dma_semaphore, #tpu.memory_space<semaphore_mem>>)
    %dma_wait3A_113 = arith.constant 1 : i32
    %dma_wait3A_114 = arith.constant 128 : i32
    %dma_wait3A_115 = arith.constant 0 : i32
    %dma_wait3A_116 = tpu.memref_slice %arg8[%dma_wait3A_114, %dma_wait3A_115] : memref<640x128xf32, #tpu.memory_space<vmem>> -> memref<128x128xf32, #tpu.memory_space<vmem>>
    %dma_wait3A_117 = arith.constant 0 : i32
    %dma_wait3A_118 = tpu.memref_slice %arg7[%dma_wait3A_113, %dma_wait3A_117] : memref<5x128xi32, #tpu.memory_space<vmem>> -> memref<1x128xi32, #tpu.memory_space<vmem>>
    %dma_wait3A_119 = tpu.memref_squeeze %dma_wait3A_118 : memref<1x128xi32, #tpu.memory_space<vmem>> -> memref<128xi32, #tpu.memory_space<vmem>>
    %dma_wait3A_120 = arith.constant 0 : i32
    %dma_wait3A_121 = arith.constant 0 : i32
    %dma_wait3A_122 = tpu.memref_slice %arg2[%dma_wait3A_120, %dma_wait3A_121] : memref<100000x128xf32, #tpu.memory_space<hbm>> -> memref<100000x128xf32, #tpu.memory_space<hbm>>
    tpu.wait_indirect_dma semaphore(%arg11 : memref<!tpu.dma_semaphore, #tpu.memory_space<semaphore_mem>>) src(%dma_wait3A_122 : memref<100000x128xf32, #tpu.memory_space<hbm>>) dst(%dma_wait3A_116 : memref<128x128xf32, #tpu.memory_space<vmem>>)
    %add3A_123 = arith.constant 128 : i32
    %add3A_124 = arith.addi %mul3A_2, %add3A_123 : i32
    %dma_start3A_125 = arith.constant 128 : i32
    %dma_start3A_126 = arith.constant 0 : i32
    %dma_start3A_127 = tpu.memref_slice %arg8[%dma_start3A_125, %dma_start3A_126] : memref<640x128xf32, #tpu.memory_space<vmem>> -> memref<128x128xf32, #tpu.memory_space<vmem>>
    %dma_start3A_128 = arith.constant 0 : i32
    %dma_start3A_129 = tpu.memref_slice %arg5[%add3A_124, %dma_start3A_128] : memref<20480x128xf32, #tpu.memory_space<hbm>> -> memref<128x128xf32, #tpu.memory_space<hbm>>
    %dma_start3A_130 = arith.constant 0 : i32
    %dma_start3A_131 = tpu.memref_slice %arg5[%add3A_124, %dma_start3A_130] : memref<20480x128xf32, #tpu.memory_space<hbm>> -> memref<128x128xf32, #tpu.memory_space<hbm>>
    %dma_start3A_132 = arith.constant 128 : i32
    %dma_start3A_133 = arith.constant 0 : i32
    %dma_start3A_134 = tpu.memref_slice %arg8[%dma_start3A_132, %dma_start3A_133] : memref<640x128xf32, #tpu.memory_space<vmem>> -> memref<128x128xf32, #tpu.memory_space<vmem>>
    tpu.enqueue_dma source(%dma_start3A_134 : memref<128x128xf32, #tpu.memory_space<vmem>>) target(%dma_start3A_131 : memref<128x128xf32, #tpu.memory_space<hbm>>) target_semaphore(%arg16 : memref<!tpu.dma_semaphore, #tpu.memory_space<semaphore_mem>>)
    %dma_wait3A_135 = arith.constant 2 : i32
    %dma_wait3A_136 = arith.constant 256 : i32
    %dma_wait3A_137 = arith.constant 0 : i32
    %dma_wait3A_138 = tpu.memref_slice %arg8[%dma_wait3A_136, %dma_wait3A_137] : memref<640x128xf32, #tpu.memory_space<vmem>> -> memref<128x128xf32, #tpu.memory_space<vmem>>
    %dma_wait3A_139 = arith.constant 0 : i32
    %dma_wait3A_140 = tpu.memref_slice %arg7[%dma_wait3A_135, %dma_wait3A_139] : memref<5x128xi32, #tpu.memory_space<vmem>> -> memref<1x128xi32, #tpu.memory_space<vmem>>
    %dma_wait3A_141 = tpu.memref_squeeze %dma_wait3A_140 : memref<1x128xi32, #tpu.memory_space<vmem>> -> memref<128xi32, #tpu.memory_space<vmem>>
    %dma_wait3A_142 = arith.constant 0 : i32
    %dma_wait3A_143 = arith.constant 0 : i32
    %dma_wait3A_144 = tpu.memref_slice %arg2[%dma_wait3A_142, %dma_wait3A_143] : memref<100000x128xf32, #tpu.memory_space<hbm>> -> memref<100000x128xf32, #tpu.memory_space<hbm>>
    tpu.wait_indirect_dma semaphore(%arg12 : memref<!tpu.dma_semaphore, #tpu.memory_space<semaphore_mem>>) src(%dma_wait3A_144 : memref<100000x128xf32, #tpu.memory_space<hbm>>) dst(%dma_wait3A_138 : memref<128x128xf32, #tpu.memory_space<vmem>>)
    %add3A_145 = arith.constant 256 : i32
    %add3A_146 = arith.addi %mul3A_2, %add3A_145 : i32
    %dma_start3A_147 = arith.constant 256 : i32
    %dma_start3A_148 = arith.constant 0 : i32
    %dma_start3A_149 = tpu.memref_slice %arg8[%dma_start3A_147, %dma_start3A_148] : memref<640x128xf32, #tpu.memory_space<vmem>> -> memref<128x128xf32, #tpu.memory_space<vmem>>
    %dma_start3A_150 = arith.constant 0 : i32
    %dma_start3A_151 = tpu.memref_slice %arg5[%add3A_146, %dma_start3A_150] : memref<20480x128xf32, #tpu.memory_space<hbm>> -> memref<128x128xf32, #tpu.memory_space<hbm>>
    %dma_start3A_152 = arith.constant 0 : i32
    %dma_start3A_153 = tpu.memref_slice %arg5[%add3A_146, %dma_start3A_152] : memref<20480x128xf32, #tpu.memory_space<hbm>> -> memref<128x128xf32, #tpu.memory_space<hbm>>
    %dma_start3A_154 = arith.constant 256 : i32
    %dma_start3A_155 = arith.constant 0 : i32
    %dma_start3A_156 = tpu.memref_slice %arg8[%dma_start3A_154, %dma_start3A_155] : memref<640x128xf32, #tpu.memory_space<vmem>> -> memref<128x128xf32, #tpu.memory_space<vmem>>
    tpu.enqueue_dma source(%dma_start3A_156 : memref<128x128xf32, #tpu.memory_space<vmem>>) target(%dma_start3A_153 : memref<128x128xf32, #tpu.memory_space<hbm>>) target_semaphore(%arg16 : memref<!tpu.dma_semaphore, #tpu.memory_space<semaphore_mem>>)
    %dma_wait3A_157 = arith.constant 3 : i32
    %dma_wait3A_158 = arith.constant 384 : i32
    %dma_wait3A_159 = arith.constant 0 : i32
    %dma_wait3A_160 = tpu.memref_slice %arg8[%dma_wait3A_158, %dma_wait3A_159] : memref<640x128xf32, #tpu.memory_space<vmem>> -> memref<128x128xf32, #tpu.memory_space<vmem>>
    %dma_wait3A_161 = arith.constant 0 : i32
    %dma_wait3A_162 = tpu.memref_slice %arg7[%dma_wait3A_157, %dma_wait3A_161] : memref<5x128xi32, #tpu.memory_space<vmem>> -> memref<1x128xi32, #tpu.memory_space<vmem>>
    %dma_wait3A_163 = tpu.memref_squeeze %dma_wait3A_162 : memref<1x128xi32, #tpu.memory_space<vmem>> -> memref<128xi32, #tpu.memory_space<vmem>>
    %dma_wait3A_164 = arith.constant 0 : i32
    %dma_wait3A_165 = arith.constant 0 : i32
    %dma_wait3A_166 = tpu.memref_slice %arg2[%dma_wait3A_164, %dma_wait3A_165] : memref<100000x128xf32, #tpu.memory_space<hbm>> -> memref<100000x128xf32, #tpu.memory_space<hbm>>
    tpu.wait_indirect_dma semaphore(%arg13 : memref<!tpu.dma_semaphore, #tpu.memory_space<semaphore_mem>>) src(%dma_wait3A_166 : memref<100000x128xf32, #tpu.memory_space<hbm>>) dst(%dma_wait3A_160 : memref<128x128xf32, #tpu.memory_space<vmem>>)
    %add3A_167 = arith.constant 384 : i32
    %add3A_168 = arith.addi %mul3A_2, %add3A_167 : i32
    %dma_start3A_169 = arith.constant 384 : i32
    %dma_start3A_170 = arith.constant 0 : i32
    %dma_start3A_171 = tpu.memref_slice %arg8[%dma_start3A_169, %dma_start3A_170] : memref<640x128xf32, #tpu.memory_space<vmem>> -> memref<128x128xf32, #tpu.memory_space<vmem>>
    %dma_start3A_172 = arith.constant 0 : i32
    %dma_start3A_173 = tpu.memref_slice %arg5[%add3A_168, %dma_start3A_172] : memref<20480x128xf32, #tpu.memory_space<hbm>> -> memref<128x128xf32, #tpu.memory_space<hbm>>
    %dma_start3A_174 = arith.constant 0 : i32
    %dma_start3A_175 = tpu.memref_slice %arg5[%add3A_168, %dma_start3A_174] : memref<20480x128xf32, #tpu.memory_space<hbm>> -> memref<128x128xf32, #tpu.memory_space<hbm>>
    %dma_start3A_176 = arith.constant 384 : i32
    %dma_start3A_177 = arith.constant 0 : i32
    %dma_start3A_178 = tpu.memref_slice %arg8[%dma_start3A_176, %dma_start3A_177] : memref<640x128xf32, #tpu.memory_space<vmem>> -> memref<128x128xf32, #tpu.memory_space<vmem>>
    tpu.enqueue_dma source(%dma_start3A_178 : memref<128x128xf32, #tpu.memory_space<vmem>>) target(%dma_start3A_175 : memref<128x128xf32, #tpu.memory_space<hbm>>) target_semaphore(%arg16 : memref<!tpu.dma_semaphore, #tpu.memory_space<semaphore_mem>>)
    %dma_wait3A_179 = arith.constant 4 : i32
    %dma_wait3A_180 = arith.constant 512 : i32
    %dma_wait3A_181 = arith.constant 0 : i32
    %dma_wait3A_182 = tpu.memref_slice %arg8[%dma_wait3A_180, %dma_wait3A_181] : memref<640x128xf32, #tpu.memory_space<vmem>> -> memref<128x128xf32, #tpu.memory_space<vmem>>
    %dma_wait3A_183 = arith.constant 0 : i32
    %dma_wait3A_184 = tpu.memref_slice %arg7[%dma_wait3A_179, %dma_wait3A_183] : memref<5x128xi32, #tpu.memory_space<vmem>> -> memref<1x128xi32, #tpu.memory_space<vmem>>
    %dma_wait3A_185 = tpu.memref_squeeze %dma_wait3A_184 : memref<1x128xi32, #tpu.memory_space<vmem>> -> memref<128xi32, #tpu.memory_space<vmem>>
    %dma_wait3A_186 = arith.constant 0 : i32
    %dma_wait3A_187 = arith.constant 0 : i32
    %dma_wait3A_188 = tpu.memref_slice %arg2[%dma_wait3A_186, %dma_wait3A_187] : memref<100000x128xf32, #tpu.memory_space<hbm>> -> memref<100000x128xf32, #tpu.memory_space<hbm>>
    tpu.wait_indirect_dma semaphore(%arg14 : memref<!tpu.dma_semaphore, #tpu.memory_space<semaphore_mem>>) src(%dma_wait3A_188 : memref<100000x128xf32, #tpu.memory_space<hbm>>) dst(%dma_wait3A_182 : memref<128x128xf32, #tpu.memory_space<vmem>>)
    %add3A_189 = arith.constant 512 : i32
    %add3A_190 = arith.addi %mul3A_2, %add3A_189 : i32
    %dma_start3A_191 = arith.constant 512 : i32
    %dma_start3A_192 = arith.constant 0 : i32
    %dma_start3A_193 = tpu.memref_slice %arg8[%dma_start3A_191, %dma_start3A_192] : memref<640x128xf32, #tpu.memory_space<vmem>> -> memref<128x128xf32, #tpu.memory_space<vmem>>
    %dma_start3A_194 = arith.constant 0 : i32
    %dma_start3A_195 = tpu.memref_slice %arg5[%add3A_190, %dma_start3A_194] : memref<20480x128xf32, #tpu.memory_space<hbm>> -> memref<128x128xf32, #tpu.memory_space<hbm>>
    %dma_start3A_196 = arith.constant 0 : i32
    %dma_start3A_197 = tpu.memref_slice %arg5[%add3A_190, %dma_start3A_196] : memref<20480x128xf32, #tpu.memory_space<hbm>> -> memref<128x128xf32, #tpu.memory_space<hbm>>
    %dma_start3A_198 = arith.constant 512 : i32
    %dma_start3A_199 = arith.constant 0 : i32
    %dma_start3A_200 = tpu.memref_slice %arg8[%dma_start3A_198, %dma_start3A_199] : memref<640x128xf32, #tpu.memory_space<vmem>> -> memref<128x128xf32, #tpu.memory_space<vmem>>
    tpu.enqueue_dma source(%dma_start3A_200 : memref<128x128xf32, #tpu.memory_space<vmem>>) target(%dma_start3A_197 : memref<128x128xf32, #tpu.memory_space<hbm>>) target_semaphore(%arg16 : memref<!tpu.dma_semaphore, #tpu.memory_space<semaphore_mem>>)
    %dma_wait3A_201 = arith.constant 0 : i32
    %dma_wait3A_202 = arith.constant 0 : i32
    %dma_wait3A_203 = tpu.memref_slice %arg9[%dma_wait3A_202] : memref<640xf32, #tpu.memory_space<vmem>> -> memref<128xf32, #tpu.memory_space<vmem>>
    %dma_wait3A_204 = arith.constant 0 : i32
    %dma_wait3A_205 = tpu.memref_slice %arg7[%dma_wait3A_201, %dma_wait3A_204] : memref<5x128xi32, #tpu.memory_space<vmem>> -> memref<1x128xi32, #tpu.memory_space<vmem>>
    %dma_wait3A_206 = tpu.memref_squeeze %dma_wait3A_205 : memref<1x128xi32, #tpu.memory_space<vmem>> -> memref<128xi32, #tpu.memory_space<vmem>>
    %dma_wait3A_207 = arith.constant 0 : i32
    %dma_wait3A_208 = tpu.memref_slice %arg3[%dma_wait3A_207] : memref<100000xf32, #tpu.memory_space<hbm>> -> memref<100000xf32, #tpu.memory_space<hbm>>
    tpu.wait_indirect_dma semaphore(%arg15 : memref<!tpu.dma_semaphore, #tpu.memory_space<semaphore_mem>>) src(%dma_wait3A_208 : memref<100000xf32, #tpu.memory_space<hbm>>) dst(%dma_wait3A_203 : memref<128xf32, #tpu.memory_space<vmem>>)
    %dma_wait3A_209 = arith.constant 1 : i32
    %dma_wait3A_210 = arith.constant 128 : i32
    %dma_wait3A_211 = tpu.memref_slice %arg9[%dma_wait3A_210] : memref<640xf32, #tpu.memory_space<vmem>> -> memref<128xf32, #tpu.memory_space<vmem>>
    %dma_wait3A_212 = arith.constant 0 : i32
    %dma_wait3A_213 = tpu.memref_slice %arg7[%dma_wait3A_209, %dma_wait3A_212] : memref<5x128xi32, #tpu.memory_space<vmem>> -> memref<1x128xi32, #tpu.memory_space<vmem>>
    %dma_wait3A_214 = tpu.memref_squeeze %dma_wait3A_213 : memref<1x128xi32, #tpu.memory_space<vmem>> -> memref<128xi32, #tpu.memory_space<vmem>>
    %dma_wait3A_215 = arith.constant 0 : i32
    %dma_wait3A_216 = tpu.memref_slice %arg3[%dma_wait3A_215] : memref<100000xf32, #tpu.memory_space<hbm>> -> memref<100000xf32, #tpu.memory_space<hbm>>
    tpu.wait_indirect_dma semaphore(%arg15 : memref<!tpu.dma_semaphore, #tpu.memory_space<semaphore_mem>>) src(%dma_wait3A_216 : memref<100000xf32, #tpu.memory_space<hbm>>) dst(%dma_wait3A_211 : memref<128xf32, #tpu.memory_space<vmem>>)
    %dma_wait3A_217 = arith.constant 2 : i32
    %dma_wait3A_218 = arith.constant 256 : i32
    %dma_wait3A_219 = tpu.memref_slice %arg9[%dma_wait3A_218] : memref<640xf32, #tpu.memory_space<vmem>> -> memref<128xf32, #tpu.memory_space<vmem>>
    %dma_wait3A_220 = arith.constant 0 : i32
    %dma_wait3A_221 = tpu.memref_slice %arg7[%dma_wait3A_217, %dma_wait3A_220] : memref<5x128xi32, #tpu.memory_space<vmem>> -> memref<1x128xi32, #tpu.memory_space<vmem>>
    %dma_wait3A_222 = tpu.memref_squeeze %dma_wait3A_221 : memref<1x128xi32, #tpu.memory_space<vmem>> -> memref<128xi32, #tpu.memory_space<vmem>>
    %dma_wait3A_223 = arith.constant 0 : i32
    %dma_wait3A_224 = tpu.memref_slice %arg3[%dma_wait3A_223] : memref<100000xf32, #tpu.memory_space<hbm>> -> memref<100000xf32, #tpu.memory_space<hbm>>
    tpu.wait_indirect_dma semaphore(%arg15 : memref<!tpu.dma_semaphore, #tpu.memory_space<semaphore_mem>>) src(%dma_wait3A_224 : memref<100000xf32, #tpu.memory_space<hbm>>) dst(%dma_wait3A_219 : memref<128xf32, #tpu.memory_space<vmem>>)
    %dma_wait3A_225 = arith.constant 3 : i32
    %dma_wait3A_226 = arith.constant 384 : i32
    %dma_wait3A_227 = tpu.memref_slice %arg9[%dma_wait3A_226] : memref<640xf32, #tpu.memory_space<vmem>> -> memref<128xf32, #tpu.memory_space<vmem>>
    %dma_wait3A_228 = arith.constant 0 : i32
    %dma_wait3A_229 = tpu.memref_slice %arg7[%dma_wait3A_225, %dma_wait3A_228] : memref<5x128xi32, #tpu.memory_space<vmem>> -> memref<1x128xi32, #tpu.memory_space<vmem>>
    %dma_wait3A_230 = tpu.memref_squeeze %dma_wait3A_229 : memref<1x128xi32, #tpu.memory_space<vmem>> -> memref<128xi32, #tpu.memory_space<vmem>>
    %dma_wait3A_231 = arith.constant 0 : i32
    %dma_wait3A_232 = tpu.memref_slice %arg3[%dma_wait3A_231] : memref<100000xf32, #tpu.memory_space<hbm>> -> memref<100000xf32, #tpu.memory_space<hbm>>
    tpu.wait_indirect_dma semaphore(%arg15 : memref<!tpu.dma_semaphore, #tpu.memory_space<semaphore_mem>>) src(%dma_wait3A_232 : memref<100000xf32, #tpu.memory_space<hbm>>) dst(%dma_wait3A_227 : memref<128xf32, #tpu.memory_space<vmem>>)
    %dma_wait3A_233 = arith.constant 4 : i32
    %dma_wait3A_234 = arith.constant 512 : i32
    %dma_wait3A_235 = tpu.memref_slice %arg9[%dma_wait3A_234] : memref<640xf32, #tpu.memory_space<vmem>> -> memref<128xf32, #tpu.memory_space<vmem>>
    %dma_wait3A_236 = arith.constant 0 : i32
    %dma_wait3A_237 = tpu.memref_slice %arg7[%dma_wait3A_233, %dma_wait3A_236] : memref<5x128xi32, #tpu.memory_space<vmem>> -> memref<1x128xi32, #tpu.memory_space<vmem>>
    %dma_wait3A_238 = tpu.memref_squeeze %dma_wait3A_237 : memref<1x128xi32, #tpu.memory_space<vmem>> -> memref<128xi32, #tpu.memory_space<vmem>>
    %dma_wait3A_239 = arith.constant 0 : i32
    %dma_wait3A_240 = tpu.memref_slice %arg3[%dma_wait3A_239] : memref<100000xf32, #tpu.memory_space<hbm>> -> memref<100000xf32, #tpu.memory_space<hbm>>
    tpu.wait_indirect_dma semaphore(%arg15 : memref<!tpu.dma_semaphore, #tpu.memory_space<semaphore_mem>>) src(%dma_wait3A_240 : memref<100000xf32, #tpu.memory_space<hbm>>) dst(%dma_wait3A_235 : memref<128xf32, #tpu.memory_space<vmem>>)
    %dma_start3A_241 = arith.constant 0 : i32
    %dma_start3A_242 = tpu.memref_slice %arg6[%dma_start3A_241, %mul3A_2] : memref<1x20480xf32, #tpu.memory_space<hbm>> -> memref<1x640xf32, #tpu.memory_space<hbm>>
    %dma_start3A_243 = tpu.memref_squeeze %dma_start3A_242 : memref<1x640xf32, #tpu.memory_space<hbm>> -> memref<640xf32, #tpu.memory_space<hbm>>
    %dma_start3A_244 = tpu.memref_slice %arg6[%dma_start3A_241, %mul3A_2] : memref<1x20480xf32, #tpu.memory_space<hbm>> -> memref<1x640xf32, #tpu.memory_space<hbm>>
    %dma_start3A_245 = tpu.memref_squeeze %dma_start3A_244 : memref<1x640xf32, #tpu.memory_space<hbm>> -> memref<640xf32, #tpu.memory_space<hbm>>
    tpu.enqueue_dma source(%arg9 : memref<640xf32, #tpu.memory_space<vmem>>) target(%dma_start3A_245 : memref<640xf32, #tpu.memory_space<hbm>>) target_semaphore(%arg16 : memref<!tpu.dma_semaphore, #tpu.memory_space<semaphore_mem>>)
    %dma_wait3A_246 = arith.constant 0 : i32
    %dma_wait3A_247 = arith.constant 0 : i32
    %dma_wait3A_248 = tpu.memref_slice %arg8[%dma_wait3A_246, %dma_wait3A_247] : memref<640x128xf32, #tpu.memory_space<vmem>> -> memref<128x128xf32, #tpu.memory_space<vmem>>
    %dma_wait3A_249 = arith.constant 0 : i32
    %dma_wait3A_250 = tpu.memref_slice %arg5[%add3A_102, %dma_wait3A_249] : memref<20480x128xf32, #tpu.memory_space<hbm>> -> memref<128x128xf32, #tpu.memory_space<hbm>>
    %dma_wait3A_251 = arith.constant 0 : i32
    %dma_wait3A_252 = tpu.memref_slice %arg5[%add3A_102, %dma_wait3A_251] : memref<20480x128xf32, #tpu.memory_space<hbm>> -> memref<128x128xf32, #tpu.memory_space<hbm>>
    %dma_wait3A_253 = arith.constant 0 : i32
    %dma_wait3A_254 = arith.constant 0 : i32
    %dma_wait3A_255 = tpu.memref_slice %arg8[%dma_wait3A_253, %dma_wait3A_254] : memref<640x128xf32, #tpu.memory_space<vmem>> -> memref<128x128xf32, #tpu.memory_space<vmem>>
    tpu.wait_dma2 semaphore(%arg16 : memref<!tpu.dma_semaphore, #tpu.memory_space<semaphore_mem>>) src(%dma_wait3A_255 : memref<128x128xf32, #tpu.memory_space<vmem>>) dst(%dma_wait3A_252 : memref<128x128xf32, #tpu.memory_space<hbm>>)
    %dma_wait3A_256 = arith.constant 128 : i32
    %dma_wait3A_257 = arith.constant 0 : i32
    %dma_wait3A_258 = tpu.memref_slice %arg8[%dma_wait3A_256, %dma_wait3A_257] : memref<640x128xf32, #tpu.memory_space<vmem>> -> memref<128x128xf32, #tpu.memory_space<vmem>>
    %dma_wait3A_259 = arith.constant 0 : i32
    %dma_wait3A_260 = tpu.memref_slice %arg5[%add3A_124, %dma_wait3A_259] : memref<20480x128xf32, #tpu.memory_space<hbm>> -> memref<128x128xf32, #tpu.memory_space<hbm>>
    %dma_wait3A_261 = arith.constant 0 : i32
    %dma_wait3A_262 = tpu.memref_slice %arg5[%add3A_124, %dma_wait3A_261] : memref<20480x128xf32, #tpu.memory_space<hbm>> -> memref<128x128xf32, #tpu.memory_space<hbm>>
    %dma_wait3A_263 = arith.constant 128 : i32
    %dma_wait3A_264 = arith.constant 0 : i32
    %dma_wait3A_265 = tpu.memref_slice %arg8[%dma_wait3A_263, %dma_wait3A_264] : memref<640x128xf32, #tpu.memory_space<vmem>> -> memref<128x128xf32, #tpu.memory_space<vmem>>
    tpu.wait_dma2 semaphore(%arg16 : memref<!tpu.dma_semaphore, #tpu.memory_space<semaphore_mem>>) src(%dma_wait3A_265 : memref<128x128xf32, #tpu.memory_space<vmem>>) dst(%dma_wait3A_262 : memref<128x128xf32, #tpu.memory_space<hbm>>)
    %dma_wait3A_266 = arith.constant 256 : i32
    %dma_wait3A_267 = arith.constant 0 : i32
    %dma_wait3A_268 = tpu.memref_slice %arg8[%dma_wait3A_266, %dma_wait3A_267] : memref<640x128xf32, #tpu.memory_space<vmem>> -> memref<128x128xf32, #tpu.memory_space<vmem>>
    %dma_wait3A_269 = arith.constant 0 : i32
    %dma_wait3A_270 = tpu.memref_slice %arg5[%add3A_146, %dma_wait3A_269] : memref<20480x128xf32, #tpu.memory_space<hbm>> -> memref<128x128xf32, #tpu.memory_space<hbm>>
    %dma_wait3A_271 = arith.constant 0 : i32
    %dma_wait3A_272 = tpu.memref_slice %arg5[%add3A_146, %dma_wait3A_271] : memref<20480x128xf32, #tpu.memory_space<hbm>> -> memref<128x128xf32, #tpu.memory_space<hbm>>
    %dma_wait3A_273 = arith.constant 256 : i32
    %dma_wait3A_274 = arith.constant 0 : i32
    %dma_wait3A_275 = tpu.memref_slice %arg8[%dma_wait3A_273, %dma_wait3A_274] : memref<640x128xf32, #tpu.memory_space<vmem>> -> memref<128x128xf32, #tpu.memory_space<vmem>>
    tpu.wait_dma2 semaphore(%arg16 : memref<!tpu.dma_semaphore, #tpu.memory_space<semaphore_mem>>) src(%dma_wait3A_275 : memref<128x128xf32, #tpu.memory_space<vmem>>) dst(%dma_wait3A_272 : memref<128x128xf32, #tpu.memory_space<hbm>>)
    %dma_wait3A_276 = arith.constant 384 : i32
    %dma_wait3A_277 = arith.constant 0 : i32
    %dma_wait3A_278 = tpu.memref_slice %arg8[%dma_wait3A_276, %dma_wait3A_277] : memref<640x128xf32, #tpu.memory_space<vmem>> -> memref<128x128xf32, #tpu.memory_space<vmem>>
    %dma_wait3A_279 = arith.constant 0 : i32
    %dma_wait3A_280 = tpu.memref_slice %arg5[%add3A_168, %dma_wait3A_279] : memref<20480x128xf32, #tpu.memory_space<hbm>> -> memref<128x128xf32, #tpu.memory_space<hbm>>
    %dma_wait3A_281 = arith.constant 0 : i32
    %dma_wait3A_282 = tpu.memref_slice %arg5[%add3A_168, %dma_wait3A_281] : memref<20480x128xf32, #tpu.memory_space<hbm>> -> memref<128x128xf32, #tpu.memory_space<hbm>>
    %dma_wait3A_283 = arith.constant 384 : i32
    %dma_wait3A_284 = arith.constant 0 : i32
    %dma_wait3A_285 = tpu.memref_slice %arg8[%dma_wait3A_283, %dma_wait3A_284] : memref<640x128xf32, #tpu.memory_space<vmem>> -> memref<128x128xf32, #tpu.memory_space<vmem>>
    tpu.wait_dma2 semaphore(%arg16 : memref<!tpu.dma_semaphore, #tpu.memory_space<semaphore_mem>>) src(%dma_wait3A_285 : memref<128x128xf32, #tpu.memory_space<vmem>>) dst(%dma_wait3A_282 : memref<128x128xf32, #tpu.memory_space<hbm>>)
    %dma_wait3A_286 = arith.constant 512 : i32
    %dma_wait3A_287 = arith.constant 0 : i32
    %dma_wait3A_288 = tpu.memref_slice %arg8[%dma_wait3A_286, %dma_wait3A_287] : memref<640x128xf32, #tpu.memory_space<vmem>> -> memref<128x128xf32, #tpu.memory_space<vmem>>
    %dma_wait3A_289 = arith.constant 0 : i32
    %dma_wait3A_290 = tpu.memref_slice %arg5[%add3A_190, %dma_wait3A_289] : memref<20480x128xf32, #tpu.memory_space<hbm>> -> memref<128x128xf32, #tpu.memory_space<hbm>>
    %dma_wait3A_291 = arith.constant 0 : i32
    %dma_wait3A_292 = tpu.memref_slice %arg5[%add3A_190, %dma_wait3A_291] : memref<20480x128xf32, #tpu.memory_space<hbm>> -> memref<128x128xf32, #tpu.memory_space<hbm>>
    %dma_wait3A_293 = arith.constant 512 : i32
    %dma_wait3A_294 = arith.constant 0 : i32
    %dma_wait3A_295 = tpu.memref_slice %arg8[%dma_wait3A_293, %dma_wait3A_294] : memref<640x128xf32, #tpu.memory_space<vmem>> -> memref<128x128xf32, #tpu.memory_space<vmem>>
    tpu.wait_dma2 semaphore(%arg16 : memref<!tpu.dma_semaphore, #tpu.memory_space<semaphore_mem>>) src(%dma_wait3A_295 : memref<128x128xf32, #tpu.memory_space<vmem>>) dst(%dma_wait3A_292 : memref<128x128xf32, #tpu.memory_space<hbm>>)
    %dma_wait3A_296 = arith.constant 0 : i32
    %dma_wait3A_297 = tpu.memref_slice %arg6[%dma_wait3A_296, %mul3A_2] : memref<1x20480xf32, #tpu.memory_space<hbm>> -> memref<1x640xf32, #tpu.memory_space<hbm>>
    %dma_wait3A_298 = tpu.memref_squeeze %dma_wait3A_297 : memref<1x640xf32, #tpu.memory_space<hbm>> -> memref<640xf32, #tpu.memory_space<hbm>>
    %dma_wait3A_299 = tpu.memref_slice %arg6[%dma_wait3A_296, %mul3A_2] : memref<1x20480xf32, #tpu.memory_space<hbm>> -> memref<1x640xf32, #tpu.memory_space<hbm>>
    %dma_wait3A_300 = tpu.memref_squeeze %dma_wait3A_299 : memref<1x640xf32, #tpu.memory_space<hbm>> -> memref<640xf32, #tpu.memory_space<hbm>>
    tpu.wait_dma2 semaphore(%arg16 : memref<!tpu.dma_semaphore, #tpu.memory_space<semaphore_mem>>) src(%arg9 : memref<640xf32, #tpu.memory_space<vmem>>) dst(%dma_wait3A_300 : memref<640xf32, #tpu.memory_space<hbm>>)
    return
  }
}

module attributes {stable_mosaic.version = 14 : i64} {
  func.func @body(%arg0: i32, %arg1: memref<2560x128xf32, #tpu.memory_space<vmem>>, %arg2: memref<1x2560xf32, #tpu.memory_space<vmem>>, %arg3: memref<5x128x128xbf16, #tpu.memory_space<vmem>>, %arg4: memref<5x128xf32, #tpu.memory_space<vmem>>, %arg5: memref<128x20x128xf32, #tpu.memory_space<vmem>>) attributes {dimension_semantics = [#tpu.dimension_semantics<arbitrary>], iteration_bounds = array<i64: 8>, scalar_prefetch = 0 : i64, scratch_operands = 0 : i64, tpu.core_type = #tpu.core_type<tc>, window_params = [{transform_indices = @transform_0, window_bounds = array<i64: 2560, 128>}, {transform_indices = @transform_1, window_bounds = array<i64: 1, 2560>}, {pipeline_mode = #tpu.pipeline_mode<synchronous>, transform_indices = @transform_2, window_bounds = array<i64: 5, 128, 128>}, {pipeline_mode = #tpu.pipeline_mode<synchronous>, transform_indices = @transform_3, window_bounds = array<i64: 5, 128>}, {transform_indices = @transform_4, window_bounds = array<i64: 128, 20, 128>}]} {
    %get3A = arith.constant 0 : index
    %get3A_0 = arith.constant 0 : index
    %get3A_1 = vector.load %arg1[%get3A, %get3A_0] : memref<2560x128xf32, #tpu.memory_space<vmem>>, vector<2560x128xf32>
    %get3A_2 = arith.constant 0 : index
    %get3A_3 = arith.constant 0 : index
    %get3A_4 = vector.load %arg2[%get3A_2, %get3A_3] : memref<1x2560xf32, #tpu.memory_space<vmem>>, vector<1x2560xf32>
    %transpose3A = tpu.transpose %get3A_4, [1, 0] : vector<1x2560xf32> -> vector<2560x1xf32>
    %mul3A = arith.constant 1.280000e+02 : f32
    %mul3A_5 = vector.broadcast %mul3A : f32 to vector<2560x1xf32>
    %mul3A_6 = arith.mulf %transpose3A, %mul3A_5 : vector<2560x1xf32>
    %iota3A = tpu.iota {dimensions = array<i32: 1>} : vector<2560x128xi32>
    %convert_element_type3A = arith.sitofp %iota3A : vector<2560x128xi32> to vector<2560x128xf32>
    %mul3A_7 = arith.constant 1.000000e+09 : f32
    %mul3A_8 = vector.broadcast %mul3A_7 : f32 to vector<2560x1xf32>
    %mul3A_9 = arith.mulf %mul3A_8, %mul3A_6 : vector<2560x1xf32>
    %mul3A_10 = arith.constant 1.000000e+09 : f32
    %mul3A_11 = vector.broadcast %mul3A_10 : f32 to vector<2560x1xf32>
    %mul3A_12 = arith.mulf %mul3A_11, %mul3A_6 : vector<2560x1xf32>
    %floor3A = math.floor %mul3A_12 : vector<2560x1xf32>
    %sub3A = arith.subf %mul3A_9, %floor3A : vector<2560x1xf32>
    %div3A = arith.constant 1.000000e+09 : f32
    %div3A_13 = vector.broadcast %div3A : f32 to vector<2560x1xf32>
    %div3A_14 = arith.divf %sub3A, %div3A_13 : vector<2560x1xf32>
    %lt3A = vector.broadcast %mul3A_6 : vector<2560x1xf32> to vector<2560x128xf32>
    %lt3A_15 = arith.cmpf olt, %convert_element_type3A, %lt3A : vector<2560x128xf32>
    %convert_element_type3A_16 = arith.extui %lt3A_15 : vector<2560x128xi1> to vector<2560x128xi32>
    %convert_element_type3A_17 = arith.sitofp %convert_element_type3A_16 : vector<2560x128xi32> to vector<2560x128xf32>
    %add3A = vector.broadcast %div3A_14 : vector<2560x1xf32> to vector<2560x128xf32>
    %add3A_18 = arith.addf %convert_element_type3A_17, %add3A : vector<2560x128xf32>
    %ceil3A = math.ceil %mul3A_6 : vector<2560x1xf32>
    %min3A = arith.constant 1.280000e+02 : f32
    %min3A_19 = vector.broadcast %min3A : f32 to vector<2560x1xf32>
    %min3A_20 = arith.minimumf %ceil3A, %min3A_19 : vector<2560x1xf32>
    %div3A_21 = arith.constant 2.500000e+01 : f32
    %div3A_22 = vector.broadcast %div3A_21 : f32 to vector<2560x1xf32>
    %div3A_23 = arith.divf %min3A_20, %div3A_22 : vector<2560x1xf32>
    %floor3A_24 = math.floor %div3A_23 : vector<2560x1xf32>
    %min3A_25 = arith.constant 4.000000e+00 : f32
    %min3A_26 = vector.broadcast %min3A_25 : f32 to vector<2560x1xf32>
    %min3A_27 = arith.minimumf %floor3A_24, %min3A_26 : vector<2560x1xf32>
    %mul3A_28 = arith.mulf %get3A_1, %add3A_18 : vector<2560x128xf32>
    %convert_element_type3A_29 = arith.truncf %mul3A_28 : vector<2560x128xf32> to vector<2560x128xbf16>
    %broadcast_in_dim3A = arith.constant 0.000000e+00 : f32
    %broadcast_in_dim3A_30 = vector.broadcast %broadcast_in_dim3A : f32 to vector<2560x128xf32>
    %get3A_31 = arith.constant 0 : index
    %get3A_32 = arith.constant 0 : index
    %get3A_33 = arith.constant 0 : index
    %get3A_34 = vector.load %arg3[%get3A_31, %get3A_32, %get3A_33] : memref<5x128x128xbf16, #tpu.memory_space<vmem>>, vector<1x128x128xbf16>
    %get3A_35 = vector.shape_cast %get3A_34 : vector<1x128x128xbf16> to vector<128x128xbf16>
    %dot_general3A = arith.constant dense<0.000000e+00> : vector<2560x128xf32>
    %dot_general3A_36 = tpu.matmul %convert_element_type3A_29, %get3A_35, %dot_general3A {dimension_numbers = #tpu.dot_dimension_numbers<[1], [1], [0], [0], [0, 0, 1, 0], [], []>, transpose_lhs_hint = false} : vector<2560x128xbf16>, vector<128x128xbf16>, vector<2560x128xf32> -> vector<2560x128xf32>
    %get3A_37 = arith.constant 0 : index
    %get3A_38 = arith.constant 0 : index
    %get3A_39 = vector.load %arg4[%get3A_37, %get3A_38] : memref<5x128xf32, #tpu.memory_space<vmem>>, vector<1x128xf32>
    %get3A_40 = vector.shape_cast %get3A_39 : vector<1x128xf32> to vector<128xf32>
    %broadcast_in_dim3A_41 = vector.shape_cast %get3A_40 : vector<128xf32> to vector<1x128xf32>
    %add3A_42 = vector.broadcast %broadcast_in_dim3A_41 : vector<1x128xf32> to vector<2560x128xf32>
    %add3A_43 = arith.addf %dot_general3A_36, %add3A_42 : vector<2560x128xf32>
    %eq3A = arith.constant 0.000000e+00 : f32
    %eq3A_44 = vector.broadcast %eq3A : f32 to vector<2560x1xf32>
    %eq3A_45 = arith.cmpf oeq, %min3A_27, %eq3A_44 : vector<2560x1xf32>
    %convert_element_type3A_46 = arith.extui %eq3A_45 : vector<2560x1xi1> to vector<2560x1xi32>
    %convert_element_type3A_47 = arith.sitofp %convert_element_type3A_46 : vector<2560x1xi32> to vector<2560x1xf32>
    %mul3A_48 = vector.broadcast %convert_element_type3A_47 : vector<2560x1xf32> to vector<2560x128xf32>
    %mul3A_49 = arith.mulf %mul3A_48, %add3A_43 : vector<2560x128xf32>
    %add3A_50 = arith.addf %broadcast_in_dim3A_30, %mul3A_49 : vector<2560x128xf32>
    %get3A_51 = arith.constant 1 : index
    %get3A_52 = arith.constant 0 : index
    %get3A_53 = arith.constant 0 : index
    %get3A_54 = vector.load %arg3[%get3A_51, %get3A_52, %get3A_53] : memref<5x128x128xbf16, #tpu.memory_space<vmem>>, vector<1x128x128xbf16>
    %get3A_55 = vector.shape_cast %get3A_54 : vector<1x128x128xbf16> to vector<128x128xbf16>
    %dot_general3A_56 = arith.constant dense<0.000000e+00> : vector<2560x128xf32>
    %dot_general3A_57 = tpu.matmul %convert_element_type3A_29, %get3A_55, %dot_general3A_56 {dimension_numbers = #tpu.dot_dimension_numbers<[1], [1], [0], [0], [0, 0, 1, 0], [], []>, transpose_lhs_hint = false} : vector<2560x128xbf16>, vector<128x128xbf16>, vector<2560x128xf32> -> vector<2560x128xf32>
    %get3A_58 = arith.constant 1 : index
    %get3A_59 = arith.constant 0 : index
    %get3A_60 = vector.load %arg4[%get3A_58, %get3A_59] : memref<5x128xf32, #tpu.memory_space<vmem>>, vector<1x128xf32>
    %get3A_61 = vector.shape_cast %get3A_60 : vector<1x128xf32> to vector<128xf32>
    %broadcast_in_dim3A_62 = vector.shape_cast %get3A_61 : vector<128xf32> to vector<1x128xf32>
    %add3A_63 = vector.broadcast %broadcast_in_dim3A_62 : vector<1x128xf32> to vector<2560x128xf32>
    %add3A_64 = arith.addf %dot_general3A_57, %add3A_63 : vector<2560x128xf32>
    %eq3A_65 = arith.constant 1.000000e+00 : f32
    %eq3A_66 = vector.broadcast %eq3A_65 : f32 to vector<2560x1xf32>
    %eq3A_67 = arith.cmpf oeq, %min3A_27, %eq3A_66 : vector<2560x1xf32>
    %convert_element_type3A_68 = arith.extui %eq3A_67 : vector<2560x1xi1> to vector<2560x1xi32>
    %convert_element_type3A_69 = arith.sitofp %convert_element_type3A_68 : vector<2560x1xi32> to vector<2560x1xf32>
    %mul3A_70 = vector.broadcast %convert_element_type3A_69 : vector<2560x1xf32> to vector<2560x128xf32>
    %mul3A_71 = arith.mulf %mul3A_70, %add3A_64 : vector<2560x128xf32>
    %add3A_72 = arith.addf %add3A_50, %mul3A_71 : vector<2560x128xf32>
    %get3A_73 = arith.constant 2 : index
    %get3A_74 = arith.constant 0 : index
    %get3A_75 = arith.constant 0 : index
    %get3A_76 = vector.load %arg3[%get3A_73, %get3A_74, %get3A_75] : memref<5x128x128xbf16, #tpu.memory_space<vmem>>, vector<1x128x128xbf16>
    %get3A_77 = vector.shape_cast %get3A_76 : vector<1x128x128xbf16> to vector<128x128xbf16>
    %dot_general3A_78 = arith.constant dense<0.000000e+00> : vector<2560x128xf32>
    %dot_general3A_79 = tpu.matmul %convert_element_type3A_29, %get3A_77, %dot_general3A_78 {dimension_numbers = #tpu.dot_dimension_numbers<[1], [1], [0], [0], [0, 0, 1, 0], [], []>, transpose_lhs_hint = false} : vector<2560x128xbf16>, vector<128x128xbf16>, vector<2560x128xf32> -> vector<2560x128xf32>
    %get3A_80 = arith.constant 2 : index
    %get3A_81 = arith.constant 0 : index
    %get3A_82 = vector.load %arg4[%get3A_80, %get3A_81] : memref<5x128xf32, #tpu.memory_space<vmem>>, vector<1x128xf32>
    %get3A_83 = vector.shape_cast %get3A_82 : vector<1x128xf32> to vector<128xf32>
    %broadcast_in_dim3A_84 = vector.shape_cast %get3A_83 : vector<128xf32> to vector<1x128xf32>
    %add3A_85 = vector.broadcast %broadcast_in_dim3A_84 : vector<1x128xf32> to vector<2560x128xf32>
    %add3A_86 = arith.addf %dot_general3A_79, %add3A_85 : vector<2560x128xf32>
    %eq3A_87 = arith.constant 2.000000e+00 : f32
    %eq3A_88 = vector.broadcast %eq3A_87 : f32 to vector<2560x1xf32>
    %eq3A_89 = arith.cmpf oeq, %min3A_27, %eq3A_88 : vector<2560x1xf32>
    %convert_element_type3A_90 = arith.extui %eq3A_89 : vector<2560x1xi1> to vector<2560x1xi32>
    %convert_element_type3A_91 = arith.sitofp %convert_element_type3A_90 : vector<2560x1xi32> to vector<2560x1xf32>
    %mul3A_92 = vector.broadcast %convert_element_type3A_91 : vector<2560x1xf32> to vector<2560x128xf32>
    %mul3A_93 = arith.mulf %mul3A_92, %add3A_86 : vector<2560x128xf32>
    %add3A_94 = arith.addf %add3A_72, %mul3A_93 : vector<2560x128xf32>
    %get3A_95 = arith.constant 3 : index
    %get3A_96 = arith.constant 0 : index
    %get3A_97 = arith.constant 0 : index
    %get3A_98 = vector.load %arg3[%get3A_95, %get3A_96, %get3A_97] : memref<5x128x128xbf16, #tpu.memory_space<vmem>>, vector<1x128x128xbf16>
    %get3A_99 = vector.shape_cast %get3A_98 : vector<1x128x128xbf16> to vector<128x128xbf16>
    %dot_general3A_100 = arith.constant dense<0.000000e+00> : vector<2560x128xf32>
    %dot_general3A_101 = tpu.matmul %convert_element_type3A_29, %get3A_99, %dot_general3A_100 {dimension_numbers = #tpu.dot_dimension_numbers<[1], [1], [0], [0], [0, 0, 1, 0], [], []>, transpose_lhs_hint = false} : vector<2560x128xbf16>, vector<128x128xbf16>, vector<2560x128xf32> -> vector<2560x128xf32>
    %get3A_102 = arith.constant 3 : index
    %get3A_103 = arith.constant 0 : index
    %get3A_104 = vector.load %arg4[%get3A_102, %get3A_103] : memref<5x128xf32, #tpu.memory_space<vmem>>, vector<1x128xf32>
    %get3A_105 = vector.shape_cast %get3A_104 : vector<1x128xf32> to vector<128xf32>
    %broadcast_in_dim3A_106 = vector.shape_cast %get3A_105 : vector<128xf32> to vector<1x128xf32>
    %add3A_107 = vector.broadcast %broadcast_in_dim3A_106 : vector<1x128xf32> to vector<2560x128xf32>
    %add3A_108 = arith.addf %dot_general3A_101, %add3A_107 : vector<2560x128xf32>
    %eq3A_109 = arith.constant 3.000000e+00 : f32
    %eq3A_110 = vector.broadcast %eq3A_109 : f32 to vector<2560x1xf32>
    %eq3A_111 = arith.cmpf oeq, %min3A_27, %eq3A_110 : vector<2560x1xf32>
    %convert_element_type3A_112 = arith.extui %eq3A_111 : vector<2560x1xi1> to vector<2560x1xi32>
    %convert_element_type3A_113 = arith.sitofp %convert_element_type3A_112 : vector<2560x1xi32> to vector<2560x1xf32>
    %mul3A_114 = vector.broadcast %convert_element_type3A_113 : vector<2560x1xf32> to vector<2560x128xf32>
    %mul3A_115 = arith.mulf %mul3A_114, %add3A_108 : vector<2560x128xf32>
    %add3A_116 = arith.addf %add3A_94, %mul3A_115 : vector<2560x128xf32>
    %get3A_117 = arith.constant 4 : index
    %get3A_118 = arith.constant 0 : index
    %get3A_119 = arith.constant 0 : index
    %get3A_120 = vector.load %arg3[%get3A_117, %get3A_118, %get3A_119] : memref<5x128x128xbf16, #tpu.memory_space<vmem>>, vector<1x128x128xbf16>
    %get3A_121 = vector.shape_cast %get3A_120 : vector<1x128x128xbf16> to vector<128x128xbf16>
    %dot_general3A_122 = arith.constant dense<0.000000e+00> : vector<2560x128xf32>
    %dot_general3A_123 = tpu.matmul %convert_element_type3A_29, %get3A_121, %dot_general3A_122 {dimension_numbers = #tpu.dot_dimension_numbers<[1], [1], [0], [0], [0, 0, 1, 0], [], []>, transpose_lhs_hint = false} : vector<2560x128xbf16>, vector<128x128xbf16>, vector<2560x128xf32> -> vector<2560x128xf32>
    %get3A_124 = arith.constant 4 : index
    %get3A_125 = arith.constant 0 : index
    %get3A_126 = vector.load %arg4[%get3A_124, %get3A_125] : memref<5x128xf32, #tpu.memory_space<vmem>>, vector<1x128xf32>
    %get3A_127 = vector.shape_cast %get3A_126 : vector<1x128xf32> to vector<128xf32>
    %broadcast_in_dim3A_128 = vector.shape_cast %get3A_127 : vector<128xf32> to vector<1x128xf32>
    %add3A_129 = vector.broadcast %broadcast_in_dim3A_128 : vector<1x128xf32> to vector<2560x128xf32>
    %add3A_130 = arith.addf %dot_general3A_123, %add3A_129 : vector<2560x128xf32>
    %eq3A_131 = arith.constant 4.000000e+00 : f32
    %eq3A_132 = vector.broadcast %eq3A_131 : f32 to vector<2560x1xf32>
    %eq3A_133 = arith.cmpf oeq, %min3A_27, %eq3A_132 : vector<2560x1xf32>
    %convert_element_type3A_134 = arith.extui %eq3A_133 : vector<2560x1xi1> to vector<2560x1xi32>
    %convert_element_type3A_135 = arith.sitofp %convert_element_type3A_134 : vector<2560x1xi32> to vector<2560x1xf32>
    %mul3A_136 = vector.broadcast %convert_element_type3A_135 : vector<2560x1xf32> to vector<2560x128xf32>
    %mul3A_137 = arith.mulf %mul3A_136, %add3A_130 : vector<2560x128xf32>
    %add3A_138 = arith.addf %add3A_116, %mul3A_137 : vector<2560x128xf32>
    %reshape3A = vector.shape_cast %add3A_138 : vector<2560x128xf32> to vector<128x20x128xf32>
    %swap3A = arith.constant 0 : index
    %swap3A_139 = arith.constant 0 : index
    %swap3A_140 = arith.constant 0 : index
    %swap3A_141 = vector.load %arg5[%swap3A, %swap3A_139, %swap3A_140] : memref<128x20x128xf32, #tpu.memory_space<vmem>>, vector<128x20x128xf32>
    tpu.vector_store %arg5[%swap3A, %swap3A_139, %swap3A_140], %reshape3A {strides = array<i32>} : memref<128x20x128xf32, #tpu.memory_space<vmem>>, vector<128x20x128xf32>,
    return
  }
  func.func @transform_0(%arg0: i32) -> (i32, i32) {
    %c0_i32 = arith.constant 0 : i32
    %c0_i32_0 = arith.constant 0 : i32
    return %arg0, %c0_i32 : i32, i32
  }
  func.func @transform_1(%arg0: i32) -> (i32, i32) {
    %c0_i32 = arith.constant 0 : i32
    %c0_i32_0 = arith.constant 0 : i32
    return %c0_i32, %arg0 : i32, i32
  }
  func.func @transform_2(%arg0: i32) -> (i32, i32, i32) {
    %c0_i32 = arith.constant 0 : i32
    %c0_i32_0 = arith.constant 0 : i32
    %c0_i32_1 = arith.constant 0 : i32
    %c0_i32_2 = arith.constant 0 : i32
    return %c0_i32, %c0_i32_0, %c0_i32_1 : i32, i32, i32
  }
  func.func @transform_3(%arg0: i32) -> (i32, i32) {
    %c0_i32 = arith.constant 0 : i32
    %c0_i32_0 = arith.constant 0 : i32
    %c0_i32_1 = arith.constant 0 : i32
    return %c0_i32, %c0_i32_0 : i32, i32
  }
  func.func @transform_4(%arg0: i32) -> (i32, i32, i32) {
    %add3A = arith.constant 0 : i32
    %add3A_0 = arith.addi %arg0, %add3A : i32
    %c0_i32 = arith.constant 0 : i32
    %c0_i32_1 = arith.constant 0 : i32
    %c0_i32_2 = arith.constant 0 : i32
    return %add3A_0, %c0_i32, %c0_i32_1 : i32, i32, i32
  }
}

</mosaic_0001>

<sc_bundles>
// kernel: kernel.4.cloned.1.call-start
scs
__scs_entry_jumppad:
0x0: {  	(pc) =	sbr.rel $0x88, $3  }
0x1: {  	(tag) =	ssettag $0x0;
	lr =	simm.s32 $0x1  }
0x2: {  	[smem:$0x3F9C] =	sst lr;
	_ =	strace $0xD0000000  }
0x3: {  	_ = 	snop  }
0x4: {  	_ = 	snop  }
0x5: {  	_ = 	snop  }
0x6: {  	_ = 	snop  }
0x7: {  	_ = 	snop  }
__scs_overlays_trampoline_lowered:
0x8: {  	[smem:$0x3FAB] =	sst s0  }
0x9: {  	[smem:$0x3FAC] =	sst s1  }
0xa: {  	[smem:$0x3FAD] =	sst s2  }
0xb: {  	[smem:$0x3FAE] =	sst s3  }
0xc: {  	[smem:$0x3FAF] =	sst s4  }
0xd: {  	[smem:$0x3FB0] =	sst s5  }
0xe: {  	[smem:$0x3FB1] =	sst s6  }
0xf: {  	[smem:$0x3FB2] =	sst s7  }
0x10: {  	[smem:$0x3FB3] =	sst s8  }
0x11: {  	[smem:$0x3FB4] =	sst s9;
	s0 =	simm.s32 @!p0 $0x0  }
0x12: {  	s1 =	sld [smem:$0x3F9A];
	s0 =	simm.s32 @p0 $0x1  }
0x13: {  	[smem:$0x3FB5] =	sst s0;
	s0 =	simm.s32 @!p1 $0x0  }
0x14: {  	s2 =	sld [smem:$0x3F99];
	s0 =	simm.s32 @p1 $0x1  }
0x15: {  	[smem:$0x3FB6] =	sst s0;
	s0 =	simm.s32 @!p2 $0x0  }
0x16: {  	s3 =	sld [smem:$0x3FDB];
	s0 =	simm.s32 @p2 $0x1  }
0x17: {  	s4 =	simm.s32 $0x1BF5;
	[smem:$0x3FB8] =	sst s0  }
0x18: {  	s0 =	sld [smem:$0x3F9B];
	_ =	swait.ge [sflag:s4], $0x0  }
0x19: {  	s7 =	sld [smem:$0x3F9C]  }
0x1a: {  	s8 =	sadd.s32 $0xFFFFE003, lr  }
0x1b: {  	s9 =	sadd.s32 $0xFFFFFEF7, lr;
	s5 =	simm.s32 $0xFFFFFFFF;
	p2 =	slt.u32 s8, $0xFFFFF086  }
0x1c: {  	p1 =	slt.u32 s9, $0xF7A;
	s5 =	simm.s32 @!p2 $0x0  }
0x1d: {  	s5 =	simm.s32 @p1 $0x1;
	p0 =	seq.s32 s7, s2  }
0x1e: {  	s7 =	smul.u32 @!p0 $0xF7A, s2;
	p2 =	seq.s32 @!p0 s5, $0x0  }
0x1f: {  	s9 =	smul.u32 $0xF7A, s1;
	s8 =	simm.s32 @!p0 $0x1BF5;
	p2 =	por !p2, p0  }
0x20: {  	[sflag:s8] =	ssyncset.s32 @!p0 $0xFFFFF086;
	s6 =	sadd.s32 @!p0 s3, s7;
	s7 =	simm.s32 @!p0 $0x108  }
0x21: {  	s3 =	sadd.s32 s3, s9;
	s6 =	sadd.s32 @!p0 $0x88, s6;
	s7 =	simm.s32 @p2 $0x1082  }
0x22: {  	[simem:s7], [sflag:s8] =	dma.local @!p0 [hbm:s6], $0xF7A  }
0x23: {  	s9 =	sor.u32 $0xD0000000, s2;
	s6 =	simm.s32 $0x108;
	_ =	swait.ge @!p0 [sflag:s8], $0x0  }
0x24: {  	s3 =	sadd.s32 $0x88, s3;
	s6 =	simm.s32 @!p1 $0x1082;
	[sflag:s4] =	ssyncset.s32 $0xFFFFF086  }
0x25: {  	[simem:s6], [sflag:s4] =	dma.local [hbm:s3], $0xF7A  }
0x26: {  	[smem:$0x3F9C] =	sst s1;
	(tag) =	ssettag s2;
	_ =	strace s9  }
0x27: {  	s1 =	sld [smem:$0x3FAC]  }
0x28: {  	s2 =	sld [smem:$0x3FAD]  }
0x29: {  	s4 =	sld [smem:$0x3FAF]  }
0x2a: {  	p0 =	seq.s32 s5, $0x0;
	s5 =	sld [smem:$0x3FB0]  }
0x2b: {  	s6 =	sld [smem:$0x3FB1]  }
0x2c: {  	s7 =	sld [smem:$0x3FB2]  }
0x2d: {  	s3 =	simm.s32 $0x108;
	s8 =	sld [smem:$0x3FB3]  }
0x2e: {  	s3 =	simm.s32 @!p0 $0x1082;
	s9 =	sld [smem:$0x3FB4]  }
0x2f: {  	lr =	sadd.s32 s0, s3;
	s0 =	sld [smem:$0x3FAB]  }
0x30: {  	s3 =	sld [smem:$0x3FAE]  }
0x31: {  	[smem:$0x3FB7] =	sst s10  }
0x32: {  	s10 =	sld [smem:$0x3FB5];
	_ =	sdelay $0x3  }
0x33: {  	p0 =	seq.s32 s10, $0x1;
	s10 =	sld [smem:$0x3FB7];
	_ =	sdelay $0x3  }
0x34: {  	[smem:$0x3FB7] =	sst s10  }
0x35: {  	s10 =	sld [smem:$0x3FB6];
	_ =	sdelay $0x3  }
0x36: {  	p1 =	seq.s32 s10, $0x1;
	s10 =	sld [smem:$0x3FB7];
	_ =	sdelay $0x3  }
0x37: {  	[smem:$0x3FB7] =	sst s10  }
0x38: {  	s10 =	sld [smem:$0x3FB8]  }
0x39: {  	_ = 	snop;
	(pc) =	sbr.ind lr, $3  }
0x3a: {  	_ = 	snop  }
0x3b: {  	_ = 	snop  }
0x3c: {  	p2 =	seq.s32 s10, $0x1;
	s10 =	sld [smem:$0x3FB7]  }
0x3d: {  	_ =	shalt  }
0x3e: {  	_ =	shalt  }
0x3f: {  	_ =	shalt  }
0x40: {  	_ =	shalt  }
0x41: {  	_ =	shalt  }
0x42: {  	_ =	shalt  }
0x43: {  	_ =	shalt  }
0x44: {  	_ =	shalt  }
0x45: {  	_ =	shalt  }
0x46: {  	_ =	shalt  }
0x47: {  	_ =	shalt  }
0x48: {  	_ =	shalt  }
0x49: {  	_ =	shalt  }
0x4a: {  	_ =	shalt  }
0x4b: {  	_ =	shalt  }
0x4c: {  	_ =	shalt  }
0x4d: {  	_ =	shalt  }
0x4e: {  	_ =	shalt  }
0x4f: {  	_ =	shalt  }
0x50: {  	_ =	shalt  }
0x51: {  	_ =	shalt  }
0x52: {  	_ =	shalt  }
0x53: {  	_ =	shalt  }
0x54: {  	_ =	shalt  }
0x55: {  	_ =	shalt  }
0x56: {  	_ =	shalt  }
0x57: {  	_ =	shalt  }
0x58: {  	_ =	shalt  }
0x59: {  	_ =	shalt  }
0x5a: {  	_ =	shalt  }
0x5b: {  	_ =	shalt  }
0x5c: {  	_ =	shalt  }
0x5d: {  	_ =	shalt  }
0x5e: {  	_ =	shalt  }
0x5f: {  	_ =	shalt  }
0x60: {  	_ =	shalt  }
0x61: {  	_ =	shalt  }
0x62: {  	_ =	shalt  }
0x63: {  	_ =	shalt  }
0x64: {  	_ =	shalt  }
0x65: {  	_ =	shalt  }
0x66: {  	_ =	shalt  }
0x67: {  	_ =	shalt  }
0x68: {  	_ =	shalt  }
0x69: {  	_ =	shalt  }
0x6a: {  	_ =	shalt  }
0x6b: {  	_ =	shalt  }
0x6c: {  	_ =	shalt  }
0x6d: {  	_ =	shalt  }
0x6e: {  	_ =	shalt  }
0x6f: {  	_ =	shalt  }
0x70: {  	_ =	shalt  }
0x71: {  	_ =	shalt  }
0x72: {  	_ =	shalt  }
0x73: {  	_ =	shalt  }
0x74: {  	_ =	shalt  }
0x75: {  	_ =	shalt  }
0x76: {  	_ =	shalt  }
0x77: {  	_ =	shalt  }
0x78: {  	_ =	shalt  }
0x79: {  	_ =	shalt  }
0x7a: {  	_ =	shalt  }
0x7b: {  	_ =	shalt  }
0x7c: {  	_ =	shalt  }
0x7d: {  	_ =	shalt  }
0x7e: {  	_ =	shalt  }
0x7f: {  	_ =	shalt  }
0x80: {  	_ =	shalt  }
0x81: {  	_ =	shalt  }
0x82: {  	_ =	shalt  }
0x83: {  	_ =	shalt  }
0x84: {  	_ =	shalt  }
0x85: {  	_ =	shalt  }
0x86: {  	_ =	shalt  }
0x87: {  	_ =	shalt  }
.Lfunc_end0:
.L_simem_size_0:
called_computation_lowered:
.L_overlay_start_0:
0x88: {  	s2 =	sld [smem:$0x3FD9]  }
0x89: {  	s3 =	sld [smem:$0x3FFE];
	_ =	sdelay $0x1  }
0x8a: {  	s1 =	srdreg.scid  }
0x8b: {  	s0 =	sand.u32 $0x1, s1  }
0x8c: {  	s17 =	sshll.u32 s0, $0xA;
	s2 =	sadd.s32 s3, s2  }
0x8d: {  	s2 =	sadd.s32 s2, s17  }
0x8e: {  	[smem:$0x3FC3] =	sst s2  }
0x8f: {  	_ = 	snop  }
0x90: {  	s2 =	sld [smem:$0x3FC8]  }
0x91: {  	s18 =	sld [smem:$0x3FD0];
	(tm) =	ssettm $0x1  }
0x92: {  	s4 =	sld [smem:$0x3FFB];
	_ =	sdelay $0x3  }
0x93: {  	_ =	strace s4  }
0x94: {  	s4 =	sld [smem:$0x3FFC];
	_ =	sdelay $0x3  }
0x95: {  	_ =	strace s4  }
0x96: {  	s4 =	sld [smem:$0x3FFD];
	_ =	sdelay $0x3  }
0x97: {  	_ =	strace s4  }
0x98: {  	_ =	strace $0x8FFFFFFF  }
0x99: {  	s19 =	sld [smem:$0x3FDB];
	_ =	sdelay $0x1  }
0x9a: {  	s5 =	simm.s32 $_scs_section_size  }
0x9b: {  	s6 =	simm.s32 $_size__tile_overlayer_lowered;
	s7 =	simm.s32 $_tile_overlayer_lowered  }
0x9c: {  	s22 =	simm.s32 $0x1BFF;
	s21 =	sshll.u32 s7, $0x1;
	s4 =	sadd.s32 s5, s19  }
0x9d: {  	s8 =	simm.s32 $0x0;
	s20 =	sshll.u32 s6, $0x1;
	s6 =	sadd.s32 s21, s4  }
0x9e: {  	[timem:s8], [sflag:s22] =	dma.local [hbm:s6], s20  }
0x9f: {  	_ =	swait.ge [sflag:s22], s20  }
0xa0: {  	s5 =	ssub.s32 $0x0, s20;
	[sflag:s22] =	ssyncset.done $0x0  }
0xa1: {  	[sflag:s22] =	ssyncadd.s32 s5;
	_ =	sdelay $0x1  }
0xa2: {  	s23 =	simm.s32 $0x1B8B  }
0xa3: {  	_ =	swait.ge [sflag:s23], $0x1  }
0xa4: {  	[sflag:s23] =	ssyncset.done $0x0  }
0xa5: {  	s25 =	simm.s32 $0x1B8E;
	s24 =	sld [smem:$0x3FFE];
	[sflag:s23] =	ssyncadd.s32 $0xFFFFFFFF  }
0xa6: {  	s26 =	simm.s32 $execute0_lowered;
	[smem:$0x3FD2] =	sst s25  }
0xa7: {  	s6 =	sshll.u32 s26, $0x1;
	_ =	strace $0x80000046;
	[dreg:$0x1] =	wrdreg $0xFFFFFFFF  }
0xa8: {  	s28 =	simm.s32 $_size_execute0_lowered;
	s4 =	sadd.s32 s4, s6;
	[dreg:$0x0] =	wrdreg $0x0  }
0xa9: {  	s6 =	sshll.u32 s28, $0x1;
	[dreg:$0x2] =	wrdreg s4  }
0xaa: {  	[dreg:$0x3] =	wrdreg s6  }
0xab: {  	[dreg:$0x4] =	wrdreg $0xC0  }
0xac: {  	_ =	task [dreg:s8], $0x5FFFF  }
0xad: {  	[dreg:$0x1] =	wrdreg $0xFFFFFFFF  }
0xae: {  	[dreg:$0x0] =	wrdreg $0x60  }
0xaf: {  	[dreg:$0x2] =	wrdreg s2  }
0xb0: {  	[dreg:$0x3] =	wrdreg s24  }
0xb1: {  	[dreg:$0x4] =	wrdreg s18  }
0xb2: {  	[dreg:$0x5] =	wrdreg $0x9  }
0xb3: {  	_ =	task.clear_ibuf [dreg:s8], $0x6FFFF;
	_ =	strace $0x90000046  }
0xb4: {  	s29 =	simm.s32 $0x9;
	_ =	strace $0x80000048  }
0xb5: {  	_ =	swait.ge [sflag:s29], $0x1  }
0xb6: {  	[sflag:s29] =	ssyncadd.s32 $0xFFFFFFFF  }
0xb7: {  	_ =	strace $0x90000048  }
0xb8: {  	_ =	sfence  }
0xb9: {  	s30 =	sld [smem:$0x0];
	_ =	sdelay $0x2  }
0xba: {  	s31 =	sshll.u32 s1, $0xD;
	s1 =	sshrl.u32 s1, $0x2  }
0xbb: {  	s3 =	sand.u32 $0x4000, s31;
	s1 =	sadd.s32 s1, s30  }
0xbc: {  	s0 =	sor.u32 s3, s0;
	s1 =	sshll.u32 s1, $0x11  }
0xbd: {  	s0 =	sor.u32 s1, s0  }
0xbe: {  	s0 =	sadd.s32 $0x8F2B, s0  }
0xbf: {  	[sflag:s0] =	ssyncadd.remote.s32 $0x1  }
0xc0: {  	_ =	sfence.sel $0xFFFF  }
0xc1: {  	[dreg:$0x0] =	wrdreg $0xFFFFFFFF;
	(pc) =	sbr.abs _section_cstart, $3  }
0xc2: {  	[dreg:$0x1] =	wrdreg $0xFFFFFFFF  }
0xc3: {  	_ =	task.clear_ibuf [dreg:s8], $0x2FFFF;
	_ =	strace $0x9FFFFFFF  }
0xc4: {  	(tm) =	ssettm $0x7FFFFFFF  }
0xc5: {  	_ =	shalt  }
tec
execute0_lowered:
.L_overlay_start_1:
0x0: {  	(tag) =	ssettag $0x1  }
0x1: {  	s5 =	rddreg [dreg:$0x0]  }
0x2: {  	s0 =	rddreg [dreg:$0x1]  }
0x3: {  	s1 =	rddreg [dreg:$0x2];
	s3 =	srdreg.scid  }
0x4: {  	s4 =	stileid.u32;
	s2 =	simm.s32 $0x0;
	s17 =	simm.s32 $0x80  }
0x5: {  	s16 =	simm.s32 $0x400;
	s15 =	simm.s32 $0x4400;
	s24 =	simm.s32 $0x14480  }
0x6: {  	s14 =	simm.s32 $0x8400;
	s28 =	simm.s32 $0x14500;
	s25 =	simm.s32 $0x180  }
0x7: {  	s13 =	simm.s32 $0xC400;
	s30 =	simm.s32 $0x14580;
	s29 =	simm.s32 $0x200  }
0x8: {  	s12 =	simm.s32 $0x10400;
	s31 =	simm.s32 $0x14600;
	s26 =	simm.s32 $0x1  }
0x9: {  	p0 =	por $0x0, $0x0;
	s3 =	sand.u32 $0x1, s3;
	s4 =	sshll.u32 s4, $0x1  }
0xa: {  	s18 =	simm.s32 $0x5;
	s11 =	simm.s32 $0x6;
	s4 =	sor.u32 s3, s4  }
0xb: {  	[smem:$0x7FF] =	sst s2;
	s8 =	sadd.s32 $0x1C00, s0;
	s6 =	smul.u32 $0x50, s4  }
0xc: {  	_ =	strace $0x80000047;
	s7 =	sshll.u32 s4, $0x7;
	s9 =	smul.u32 $0x14000, s4  }
0xd: {  	s3 =	ssub.s32 $0x2, s3;
	s4 =	smul.u32 $0x2800, s4;
	s7 =	sadd.s32 s7, s0  }
0xe: {  	s21 =	sshrl.u32 s3, $0x1;
	s0 =	sadd.s32 s6, s0;
	s19 =	sadd.s32 $0xC00, s7  }
0xf: {  	s20 =	sshrl.u32 s9, $0x3;
	s4 =	sadd.s32 s1, s4;
	s6 =	ssub.s32 s3, s21  }
0x10: {  	s21 =	simm.s32 $0x8;
	[dreg:$0x4] =	wrdreg s19;
	s23 =	smax.u32 s6, $0x1  }
0x11: {  	s1 =	sadd.s32 s1, s20;
	[dreg:$0x5] =	wrdreg s4;
	p1 =	sne.s32 s23, $0x1  }
.Ltmp0:
0x12: {  	s3 =	sadd.s32 $0x4E00, s0;
	s4 =	simm.s32 $0x14400;
	(pc) =	sbr.rel @!p1 .LBB2_3-.Ltmp0, $4  }
0x13: {  	s20 =	simm.s32 $0x3;
	s19 =	simm.s32 $0x4;
	s6 =	simm.s32 $0x7  }
0x14: {  	s22 =	sadd.s32 $0x800, s1;
	s10 =	sadd.s32 $0x1000, s1;
	s9 =	sadd.s32 $0x1800, s1  }
0x15: {  	s7 =	sadd.s32 $0x2000, s1;
	s0 =	sadd.s32 $0xFFFFFFFF, s23;
	s1 =	rddreg [dreg:$0x4]  }
0x16: {  	s23 =	simm.s32 $0x2;
	[dreg:$0x6] =	wrdreg s22;
	s22 =	simm.s32 $0x100  }
0x17: {  	[tilespmem:s2], [sflag:$0x8] =	stream.linear.gather [hbm4b:s1+s2], $0x280, $0x38;
	[tilespmem:$0x14680] =	vst v63  }
0x18: {  	_ =	swait.ge [sflag:s21], $0x280  }
0x19: {  	[sflag:s21] =	ssyncset.done $0x0  }
0x1a: {  	[sflag:s21] =	ssyncadd.s32 $0xFFFFFD80  }
0x1b: {  	[tilespmem:s16], [sflag:$0x1] =	stream.indirect.gather [hbm4b:s5+s17], $0x80, s2, s17, $0xb8;
	[tilespmem:$0x14680] =	vst v63  }
0x1c: {  	_ = 	snop  }
0x1d: {  	[tilespmem:s4], [sflag:$0x6] =	stream.indirect.gather [hbm4b:s8+s17], $0x1, s2, s17, $0xb8;
	[tilespmem:$0x14680] =	vst v63  }
0x1e: {  	_ = 	snop  }
0x1f: {  	[tilespmem:s15], [sflag:$0x2] =	stream.indirect.gather [hbm4b:s5+s17], $0x80, s17, s17, $0xb8;
	[tilespmem:$0x14680] =	vst v63  }
0x20: {  	_ = 	snop  }
0x21: {  	[tilespmem:s24], [sflag:$0x6] =	stream.indirect.gather [hbm4b:s8+s17], $0x1, s17, s17, $0xb8;
	[tilespmem:$0x14680] =	vst v63  }
0x22: {  	_ = 	snop  }
0x23: {  	[tilespmem:s14], [sflag:$0x3] =	stream.indirect.gather [hbm4b:s5+s17], $0x80, s22, s17, $0xb8;
	[tilespmem:$0x14680] =	vst v63  }
0x24: {  	_ = 	snop  }
0x25: {  	[tilespmem:s28], [sflag:$0x6] =	stream.indirect.gather [hbm4b:s8+s17], $0x1, s22, s17, $0xb8;
	[tilespmem:$0x14680] =	vst v63  }
0x26: {  	_ = 	snop  }
0x27: {  	[tilespmem:s13], [sflag:$0x4] =	stream.indirect.gather [hbm4b:s5+s17], $0x80, s25, s17, $0xb8;
	[tilespmem:$0x14680] =	vst v63  }
0x28: {  	_ = 	snop  }
0x29: {  	[tilespmem:s30], [sflag:$0x6] =	stream.indirect.gather [hbm4b:s8+s17], $0x1, s25, s17, $0xb8;
	[tilespmem:$0x14680] =	vst v63  }
0x2a: {  	_ = 	snop  }
0x2b: {  	[tilespmem:s12], [sflag:$0x5] =	stream.indirect.gather [hbm4b:s5+s17], $0x80, s29, s17, $0xb8;
	[tilespmem:$0x14680] =	vst v63  }
0x2c: {  	_ = 	snop  }
0x2d: {  	[tilespmem:s31], [sflag:$0x6] =	stream.indirect.gather [hbm4b:s8+s17], $0x1, s29, s17, $0xb8;
	[tilespmem:$0x14680] =	vst v63  }
0x2e: {  	_ =	swait.ge [sflag:s26], $0x4000  }
0x2f: {  	[sflag:s26] =	ssyncset.done $0x0  }
0x30: {  	s1 =	rddreg [dreg:$0x5];
	[sflag:s26] =	ssyncadd.s32 $0xFFFFC000  }
0x31: {  	[hbm4b:s1+s2] =	stream.linear.scatter [tilespmem:s16], [sflag:$0x7], $0x4000, $0x38;
	[tilespmem:$0x14680] =	vst v63  }
0x32: {  	_ =	swait.ge [sflag:s23], $0x4000  }
0x33: {  	[sflag:s23] =	ssyncset.done $0x0  }
0x34: {  	s1 =	rddreg [dreg:$0x6];
	[sflag:s23] =	ssyncadd.s32 $0xFFFFC000  }
0x35: {  	[hbm4b:s1+s2] =	stream.linear.scatter [tilespmem:s15], [sflag:$0x7], $0x4000, $0x38;
	[tilespmem:$0x14680] =	vst v63  }
0x36: {  	_ =	swait.ge [sflag:s20], $0x4000  }
0x37: {  	[sflag:s20] =	ssyncset.done $0x0  }
0x38: {  	[sflag:s20] =	ssyncadd.s32 $0xFFFFC000  }
0x39: {  	[hbm4b:s10+s2] =	stream.linear.scatter [tilespmem:s14], [sflag:$0x7], $0x4000, $0x38;
	[tilespmem:$0x14680] =	vst v63  }
0x3a: {  	_ =	swait.ge [sflag:s19], $0x4000  }
0x3b: {  	[sflag:s19] =	ssyncset.done $0x0  }
0x3c: {  	[sflag:s19] =	ssyncadd.s32 $0xFFFFC000  }
0x3d: {  	[hbm4b:s9+s2] =	stream.linear.scatter [tilespmem:s13], [sflag:$0x7], $0x4000, $0x38;
	[tilespmem:$0x14680] =	vst v63  }
0x3e: {  	_ =	swait.ge [sflag:s18], $0x4000  }
0x3f: {  	[sflag:s18] =	ssyncset.done $0x0  }
0x40: {  	[sflag:s18] =	ssyncadd.s32 $0xFFFFC000  }
0x41: {  	[hbm4b:s7+s2] =	stream.linear.scatter [tilespmem:s12], [sflag:$0x7], $0x4000, $0x38;
	[tilespmem:$0x14680] =	vst v63  }
0x42: {  	_ =	swait.ge [sflag:s11], $0x80  }
0x43: {  	[sflag:s11] =	ssyncset.done $0x0  }
0x44: {  	[sflag:s11] =	ssyncadd.s32 $0xFFFFFF80  }
0x45: {  	_ =	swait.ge [sflag:s11], $0x80  }
0x46: {  	[sflag:s11] =	ssyncset.done $0x0  }
0x47: {  	[sflag:s11] =	ssyncadd.s32 $0xFFFFFF80  }
0x48: {  	_ =	swait.ge [sflag:s11], $0x80  }
0x49: {  	[sflag:s11] =	ssyncset.done $0x0  }
0x4a: {  	[sflag:s11] =	ssyncadd.s32 $0xFFFFFF80  }
0x4b: {  	_ =	swait.ge [sflag:s11], $0x80  }
0x4c: {  	[sflag:s11] =	ssyncset.done $0x0  }
0x4d: {  	[sflag:s11] =	ssyncadd.s32 $0xFFFFFF80  }
0x4e: {  	_ =	swait.ge [sflag:s11], $0x80  }
0x4f: {  	[sflag:s11] =	ssyncset.done $0x0  }
0x50: {  	[sflag:s11] =	ssyncadd.s32 $0xFFFFFF80  }
0x51: {  	[hbm4b:s3+s2] =	stream.linear.scatter [tilespmem:s4], [sflag:$0x7], $0x280, $0x38;
	[tilespmem:$0x14680] =	vst v63  }
0x52: {  	_ =	swait.ge [sflag:s6], $0x4000  }
0x53: {  	[sflag:s6] =	ssyncset.done $0x0  }
0x54: {  	[sflag:s6] =	ssyncadd.s32 $0xFFFFC000  }
0x55: {  	_ =	swait.ge [sflag:s6], $0x4000  }
0x56: {  	[sflag:s6] =	ssyncset.done $0x0  }
0x57: {  	[sflag:s6] =	ssyncadd.s32 $0xFFFFC000  }
0x58: {  	_ =	swait.ge [sflag:s6], $0x4000  }
0x59: {  	[sflag:s6] =	ssyncset.done $0x0  }
0x5a: {  	[sflag:s6] =	ssyncadd.s32 $0xFFFFC000  }
0x5b: {  	_ =	swait.ge [sflag:s6], $0x4000  }
0x5c: {  	[sflag:s6] =	ssyncset.done $0x0  }
0x5d: {  	p1 =	sne.s32 s0, $0x1;
	[sflag:s6] =	ssyncadd.s32 $0xFFFFC000  }
.Ltmp1:
0x5e: {  	_ =	swait.ge [sflag:s6], $0x4000;
	(pc) =	sbr.rel @!p1 .LBB2_3-.Ltmp1, $4  }
0x5f: {  	[sflag:s6] =	ssyncset.done $0x0  }
0x60: {  	[sflag:s6] =	ssyncadd.s32 $0xFFFFC000  }
0x61: {  	s0 =	sadd.s32 $0xFFFFFFFF, s0;
	_ =	swait.ge [sflag:s6], $0x280  }
0x62: {  	p0 =	por $0x1, $0x1;
	s1 =	rddreg [dreg:$0x4];
	[sflag:s6] =	ssyncset.done $0x0  }
.LBB2_2:
0x63: {  	[sflag:s6] =	ssyncadd.s32 $0xFFFFFD80  }
0x64: {  	[tilespmem:s2], [sflag:$0x8] =	stream.linear.gather [hbm4b:s1+s2], $0x280, $0x38;
	[tilespmem:$0x14680] =	vst v63  }
0x65: {  	_ =	swait.ge [sflag:s21], $0x280  }
0x66: {  	[sflag:s21] =	ssyncset.done $0x0  }
0x67: {  	[sflag:s21] =	ssyncadd.s32 $0xFFFFFD80  }
0x68: {  	[tilespmem:s16], [sflag:$0x1] =	stream.indirect.gather [hbm4b:s5+s17], $0x80, s2, s17, $0xb8;
	[tilespmem:$0x14680] =	vst v63  }
0x69: {  	_ = 	snop  }
0x6a: {  	[tilespmem:s4], [sflag:$0x6] =	stream.indirect.gather [hbm4b:s8+s17], $0x1, s2, s17, $0xb8;
	[tilespmem:$0x14680] =	vst v63  }
0x6b: {  	_ = 	snop  }
0x6c: {  	[tilespmem:s15], [sflag:$0x2] =	stream.indirect.gather [hbm4b:s5+s17], $0x80, s17, s17, $0xb8;
	[tilespmem:$0x14680] =	vst v63  }
0x6d: {  	_ = 	snop  }
0x6e: {  	[tilespmem:s24], [sflag:$0x6] =	stream.indirect.gather [hbm4b:s8+s17], $0x1, s17, s17, $0xb8;
	[tilespmem:$0x14680] =	vst v63  }
0x6f: {  	_ = 	snop  }
0x70: {  	[tilespmem:s14], [sflag:$0x3] =	stream.indirect.gather [hbm4b:s5+s17], $0x80, s22, s17, $0xb8;
	[tilespmem:$0x14680] =	vst v63  }
0x71: {  	_ = 	snop  }
0x72: {  	[tilespmem:s28], [sflag:$0x6] =	stream.indirect.gather [hbm4b:s8+s17], $0x1, s22, s17, $0xb8;
	[tilespmem:$0x14680] =	vst v63  }
0x73: {  	_ = 	snop  }
0x74: {  	[tilespmem:s13], [sflag:$0x4] =	stream.indirect.gather [hbm4b:s5+s17], $0x80, s25, s17, $0xb8;
	[tilespmem:$0x14680] =	vst v63  }
0x75: {  	_ = 	snop  }
0x76: {  	[tilespmem:s30], [sflag:$0x6] =	stream.indirect.gather [hbm4b:s8+s17], $0x1, s25, s17, $0xb8;
	[tilespmem:$0x14680] =	vst v63  }
0x77: {  	_ = 	snop  }
0x78: {  	[tilespmem:s12], [sflag:$0x5] =	stream.indirect.gather [hbm4b:s5+s17], $0x80, s29, s17, $0xb8;
	[tilespmem:$0x14680] =	vst v63  }
0x79: {  	_ = 	snop  }
0x7a: {  	[tilespmem:s31], [sflag:$0x6] =	stream.indirect.gather [hbm4b:s8+s17], $0x1, s29, s17, $0xb8;
	[tilespmem:$0x14680] =	vst v63  }
0x7b: {  	_ =	swait.ge [sflag:s26], $0x4000  }
0x7c: {  	[sflag:s26] =	ssyncset.done $0x0  }
0x7d: {  	s1 =	rddreg [dreg:$0x5];
	[sflag:s26] =	ssyncadd.s32 $0xFFFFC000  }
0x7e: {  	[hbm4b:s1+s2] =	stream.linear.scatter [tilespmem:s16], [sflag:$0x7], $0x4000, $0x38;
	[tilespmem:$0x14680] =	vst v63  }
0x7f: {  	_ =	swait.ge [sflag:s23], $0x4000  }
0x80: {  	[sflag:s23] =	ssyncset.done $0x0  }
0x81: {  	s1 =	rddreg [dreg:$0x6];
	[sflag:s23] =	ssyncadd.s32 $0xFFFFC000  }
0x82: {  	[hbm4b:s1+s2] =	stream.linear.scatter [tilespmem:s15], [sflag:$0x7], $0x4000, $0x38;
	[tilespmem:$0x14680] =	vst v63  }
0x83: {  	_ =	swait.ge [sflag:s20], $0x4000  }
0x84: {  	[sflag:s20] =	ssyncset.done $0x0  }
0x85: {  	[sflag:s20] =	ssyncadd.s32 $0xFFFFC000  }
0x86: {  	[hbm4b:s10+s2] =	stream.linear.scatter [tilespmem:s14], [sflag:$0x7], $0x4000, $0x38;
	[tilespmem:$0x14680] =	vst v63  }
0x87: {  	_ =	swait.ge [sflag:s19], $0x4000  }
0x88: {  	[sflag:s19] =	ssyncset.done $0x0  }
0x89: {  	[sflag:s19] =	ssyncadd.s32 $0xFFFFC000  }
0x8a: {  	[hbm4b:s9+s2] =	stream.linear.scatter [tilespmem:s13], [sflag:$0x7], $0x4000, $0x38;
	[tilespmem:$0x14680] =	vst v63  }
0x8b: {  	_ =	swait.ge [sflag:s18], $0x4000  }
0x8c: {  	[sflag:s18] =	ssyncset.done $0x0  }
0x8d: {  	[sflag:s18] =	ssyncadd.s32 $0xFFFFC000  }
0x8e: {  	[hbm4b:s7+s2] =	stream.linear.scatter [tilespmem:s12], [sflag:$0x7], $0x4000, $0x38;
	[tilespmem:$0x14680] =	vst v63  }
0x8f: {  	_ =	swait.ge [sflag:s11], $0x80  }
0x90: {  	[sflag:s11] =	ssyncset.done $0x0  }
0x91: {  	[sflag:s11] =	ssyncadd.s32 $0xFFFFFF80  }
0x92: {  	_ =	swait.ge [sflag:s11], $0x80  }
0x93: {  	[sflag:s11] =	ssyncset.done $0x0  }
0x94: {  	[sflag:s11] =	ssyncadd.s32 $0xFFFFFF80  }
0x95: {  	_ =	swait.ge [sflag:s11], $0x80  }
0x96: {  	[sflag:s11] =	ssyncset.done $0x0  }
0x97: {  	[sflag:s11] =	ssyncadd.s32 $0xFFFFFF80  }
0x98: {  	_ =	swait.ge [sflag:s11], $0x80  }
0x99: {  	[sflag:s11] =	ssyncset.done $0x0  }
0x9a: {  	[sflag:s11] =	ssyncadd.s32 $0xFFFFFF80  }
0x9b: {  	_ =	swait.ge [sflag:s11], $0x80  }
0x9c: {  	[sflag:s11] =	ssyncset.done $0x0  }
0x9d: {  	[sflag:s11] =	ssyncadd.s32 $0xFFFFFF80  }
0x9e: {  	[hbm4b:s3+s2] =	stream.linear.scatter [tilespmem:s4], [sflag:$0x7], $0x280, $0x38;
	[tilespmem:$0x14680] =	vst v63  }
0x9f: {  	_ =	swait.ge [sflag:s6], $0x4000  }
0xa0: {  	[sflag:s6] =	ssyncset.done $0x0  }
0xa1: {  	[sflag:s6] =	ssyncadd.s32 $0xFFFFC000  }
0xa2: {  	_ =	swait.ge [sflag:s6], $0x4000  }
0xa3: {  	[sflag:s6] =	ssyncset.done $0x0  }
0xa4: {  	[sflag:s6] =	ssyncadd.s32 $0xFFFFC000  }
0xa5: {  	_ =	swait.ge [sflag:s6], $0x4000  }
0xa6: {  	[sflag:s6] =	ssyncset.done $0x0  }
0xa7: {  	[sflag:s6] =	ssyncadd.s32 $0xFFFFC000  }
0xa8: {  	_ =	swait.ge [sflag:s6], $0x4000  }
0xa9: {  	[sflag:s6] =	ssyncset.done $0x0  }
0xaa: {  	p1 =	sne.s32 s0, $0x1;
	[sflag:s6] =	ssyncadd.s32 $0xFFFFC000  }
.Ltmp2:
0xab: {  	_ =	swait.ge [sflag:s6], $0x4000;
	(pc) =	sbr.rel @p1 .LBB2_2-.Ltmp2, $4  }
0xac: {  	[sflag:s6] =	ssyncset.done $0x0  }
0xad: {  	[sflag:s6] =	ssyncadd.s32 $0xFFFFC000  }
0xae: {  	_ =	swait.ge [sflag:s6], $0x280  }
0xaf: {  	s0 =	sadd.s32 $0xFFFFFFFF, s0;
	s1 =	rddreg [dreg:$0x4];
	[sflag:s6] =	ssyncset.done $0x0  }
.LBB2_3:
0xb0: {  	[sflag:s6] =	ssyncadd.s32 @p0 $0xFFFFFD80  }
0xb1: {  	[tilespmem:s2], [sflag:$0x8] =	stream.linear.gather [hbm4b:s1+s2], $0x280, $0x38;
	[tilespmem:$0x14680] =	vst v63  }
0xb2: {  	_ =	swait.ge [sflag:s21], $0x280  }
0xb3: {  	[sflag:s21] =	ssyncset.done $0x0  }
0xb4: {  	[sflag:s21] =	ssyncadd.s32 $0xFFFFFD80  }
0xb5: {  	[tilespmem:s16], [sflag:$0x1] =	stream.indirect.gather [hbm4b:s5+s17], $0x80, s2, s17, $0xb8;
	[tilespmem:$0x14680] =	vst v63  }
0xb6: {  	_ = 	snop  }
0xb7: {  	[tilespmem:s4], [sflag:$0x6] =	stream.indirect.gather [hbm4b:s8+s17], $0x1, s2, s17, $0xb8;
	[tilespmem:$0x14680] =	vst v63  }
0xb8: {  	_ = 	snop  }
0xb9: {  	[tilespmem:s15], [sflag:$0x2] =	stream.indirect.gather [hbm4b:s5+s17], $0x80, s17, s17, $0xb8;
	[tilespmem:$0x14680] =	vst v63  }
0xba: {  	_ = 	snop  }
0xbb: {  	[tilespmem:s24], [sflag:$0x6] =	stream.indirect.gather [hbm4b:s8+s17], $0x1, s17, s17, $0xb8;
	[tilespmem:$0x14680] =	vst v63  }
0xbc: {  	_ = 	snop  }
0xbd: {  	[tilespmem:s14], [sflag:$0x3] =	stream.indirect.gather [hbm4b:s5+s17], $0x80, s22, s17, $0xb8;
	[tilespmem:$0x14680] =	vst v63  }
0xbe: {  	_ = 	snop  }
0xbf: {  	[tilespmem:s28], [sflag:$0x6] =	stream.indirect.gather [hbm4b:s8+s17], $0x1, s22, s17, $0xb8;
	[tilespmem:$0x14680] =	vst v63  }
0xc0: {  	_ = 	snop  }
0xc1: {  	[tilespmem:s13], [sflag:$0x4] =	stream.indirect.gather [hbm4b:s5+s17], $0x80, s25, s17, $0xb8;
	[tilespmem:$0x14680] =	vst v63  }
0xc2: {  	_ = 	snop  }
0xc3: {  	[tilespmem:s30], [sflag:$0x6] =	stream.indirect.gather [hbm4b:s8+s17], $0x1, s25, s17, $0xb8;
	[tilespmem:$0x14680] =	vst v63  }
0xc4: {  	_ = 	snop  }
0xc5: {  	[tilespmem:s12], [sflag:$0x5] =	stream.indirect.gather [hbm4b:s5+s17], $0x80, s29, s17, $0xb8;
	[tilespmem:$0x14680] =	vst v63  }
0xc6: {  	_ = 	snop  }
0xc7: {  	[tilespmem:s31], [sflag:$0x6] =	stream.indirect.gather [hbm4b:s8+s17], $0x1, s29, s17, $0xb8;
	[tilespmem:$0x14680] =	vst v63  }
0xc8: {  	_ =	swait.ge [sflag:s26], $0x4000  }
0xc9: {  	[sflag:s26] =	ssyncset.done $0x0  }
0xca: {  	s0 =	rddreg [dreg:$0x5];
	[sflag:s26] =	ssyncadd.s32 $0xFFFFC000  }
0xcb: {  	[hbm4b:s0+s2] =	stream.linear.scatter [tilespmem:s16], [sflag:$0x7], $0x4000, $0x38;
	[tilespmem:$0x14680] =	vst v63  }
0xcc: {  	_ =	swait.ge [sflag:s23], $0x4000  }
0xcd: {  	[sflag:s23] =	ssyncset.done $0x0  }
0xce: {  	s30 =	rddreg [dreg:$0x6];
	[sflag:s23] =	ssyncadd.s32 $0xFFFFC000  }
0xcf: {  	[hbm4b:s30+s2] =	stream.linear.scatter [tilespmem:s15], [sflag:$0x7], $0x4000, $0x38;
	[tilespmem:$0x14680] =	vst v63  }
0xd0: {  	_ =	swait.ge [sflag:s20], $0x4000  }
0xd1: {  	[sflag:s20] =	ssyncset.done $0x0  }
0xd2: {  	[sflag:s20] =	ssyncadd.s32 $0xFFFFC000  }
0xd3: {  	[hbm4b:s10+s2] =	stream.linear.scatter [tilespmem:s14], [sflag:$0x7], $0x4000, $0x38;
	[tilespmem:$0x14680] =	vst v63  }
0xd4: {  	_ =	swait.ge [sflag:s19], $0x4000  }
0xd5: {  	[sflag:s19] =	ssyncset.done $0x0  }
0xd6: {  	[sflag:s19] =	ssyncadd.s32 $0xFFFFC000  }
0xd7: {  	[hbm4b:s9+s2] =	stream.linear.scatter [tilespmem:s13], [sflag:$0x7], $0x4000, $0x38;
	[tilespmem:$0x14680] =	vst v63  }
0xd8: {  	_ =	swait.ge [sflag:s18], $0x4000  }
0xd9: {  	[sflag:s18] =	ssyncset.done $0x0  }
0xda: {  	[sflag:s18] =	ssyncadd.s32 $0xFFFFC000  }
0xdb: {  	[hbm4b:s7+s2] =	stream.linear.scatter [tilespmem:s12], [sflag:$0x7], $0x4000, $0x38;
	[tilespmem:$0x14680] =	vst v63  }
0xdc: {  	_ =	swait.ge [sflag:s11], $0x80  }
0xdd: {  	[sflag:s11] =	ssyncset.done $0x0  }
0xde: {  	[sflag:s11] =	ssyncadd.s32 $0xFFFFFF80  }
0xdf: {  	_ =	swait.ge [sflag:s11], $0x80  }
0xe0: {  	[sflag:s11] =	ssyncset.done $0x0  }
0xe1: {  	[sflag:s11] =	ssyncadd.s32 $0xFFFFFF80  }
0xe2: {  	_ =	swait.ge [sflag:s11], $0x80  }
0xe3: {  	[sflag:s11] =	ssyncset.done $0x0  }
0xe4: {  	[sflag:s11] =	ssyncadd.s32 $0xFFFFFF80  }
0xe5: {  	_ =	swait.ge [sflag:s11], $0x80  }
0xe6: {  	[sflag:s11] =	ssyncset.done $0x0  }
0xe7: {  	[sflag:s11] =	ssyncadd.s32 $0xFFFFFF80  }
0xe8: {  	_ =	swait.ge [sflag:s11], $0x80  }
0xe9: {  	[sflag:s11] =	ssyncset.done $0x0  }
0xea: {  	[sflag:s11] =	ssyncadd.s32 $0xFFFFFF80  }
0xeb: {  	[hbm4b:s3+s2] =	stream.linear.scatter [tilespmem:s4], [sflag:$0x7], $0x280, $0x38;
	[tilespmem:$0x14680] =	vst v63  }
0xec: {  	_ =	swait.ge [sflag:s6], $0x4000  }
0xed: {  	[sflag:s6] =	ssyncset.done $0x0  }
0xee: {  	[sflag:s6] =	ssyncadd.s32 $0xFFFFC000  }
0xef: {  	_ =	swait.ge [sflag:s6], $0x4000  }
0xf0: {  	[sflag:s6] =	ssyncset.done $0x0  }
0xf1: {  	[sflag:s6] =	ssyncadd.s32 $0xFFFFC000  }
0xf2: {  	_ =	swait.ge [sflag:s6], $0x4000  }
0xf3: {  	[sflag:s6] =	ssyncset.done $0x0  }
0xf4: {  	[sflag:s6] =	ssyncadd.s32 $0xFFFFC000  }
0xf5: {  	_ =	swait.ge [sflag:s6], $0x4000  }
0xf6: {  	[sflag:s6] =	ssyncset.done $0x0  }
0xf7: {  	[sflag:s6] =	ssyncadd.s32 $0xFFFFC000  }
0xf8: {  	_ =	swait.ge [sflag:s6], $0x4000  }
0xf9: {  	[sflag:s6] =	ssyncset.done $0x0  }
0xfa: {  	[sflag:s6] =	ssyncadd.s32 $0xFFFFC000  }
0xfb: {  	_ =	swait.ge [sflag:s6], $0x280  }
0xfc: {  	[sflag:s6] =	ssyncset.done $0x0  }
0xfd: {  	[sflag:s6] =	ssyncadd.s32 $0xFFFFFD80  }
0xfe: {  	_ =	sfence.sel $0x180000  }
0xff: {  	[bflag:$0x0] =	sbarrier.arrive $0xFFFF  }
0x100: {  	_ =	strace $0x90000047  }
0x101: {  	s31 =	stileid.u32;
	[bflag:$0x2] =	sbarrier.arrive $0xFFFF  }
0x102: {  	p0 =	sne.s32 s31, $0x0;
	s0 =	rddreg [dreg:$0x3]  }
0x103: {  	s0 =	sadd.s32 @!p0 $0x100000, s0  }
0x104: {  	[sflag:s0] =	ssyncadd.tile.s32 @!p0 $0x1;
	_ =	shalt  }
.Lfunc_end2:
_tile_overlayer_lowered:
.L_overlay_start_2:
0x105: {  	(tag) =	ssettag $0x2  }
0x106: {  	s0 =	rddreg [dreg:$0x0];
	s2 =	stileid.u32  }
0x107: {  	s1 =	rddreg [dreg:$0x1];
	p0 =	sne.s32 s2, $0x0  }
0x108: {  	s3 =	rddreg [dreg:$0x2];
	[bflag:$0x3] =	sbarrier.arrive $0xFFFF;
	s2 =	simm.s32 @!p0 $0x1C08  }
0x109: {  	[timem:s3], [sflag:s2] =	dma.local @!p0 [hbm:s0], s1  }
0x10a: {  	s0 =	simm.s32 @!p0 $0x8  }
0x10b: {  	_ =	swait.ge @!p0 [sflag:s0], s1  }
0x10c: {  	s1 =	ssub.s32 @!p0 $0x0, s1;
	[sflag:s0] =	ssyncset.done @!p0 $0x0  }
0x10d: {  	[sflag:s0] =	ssyncadd.s32 @!p0 s1  }
0x10e: {  	[bflag:$0x3] =	sbarrier.arrive $0xFFFF  }
0x10f: {  	_ =	shalt  }

</sc_bundles>
